<compile_context>
chip_gen: v7x
topology: tpu7x:2x2x1
jax: 0.10.2.dev20260603
libtpu: 0.0.44.dev20260713+nightly
codegen_flags: <defaults>
</compile_context>

<pallas_src>
import functools

import jax
import jax.numpy as jnp
from jax import lax
from jax.experimental import pallas as pl
from jax.experimental.pallas import tpu as pltpu
from jax.experimental.pallas import tpu_sc as plsc

N = 10000
E = 320000
F = 128

NC = 2
NS = 16
NW = NC * NS

CHUNK = 128
CH3 = 128
NPAD = 10240
DEG_SLICE = NPAD // NS
ROWS_T = NPAD // NS
GPW = 80
GPW3 = 80
E_PAD = 2752 * CHUNK

_mesh = plsc.VectorSubcoreMesh(core_axis_name="c", subcore_axis_name="s")


@functools.partial(
    pl.kernel,
    out_type=jax.ShapeDtypeStruct((NC * NPAD,), jnp.float32),
    mesh=_mesh,
    scratch_types=[
        [pltpu.VMEM((CHUNK,), jnp.int32) for _ in range(8)],
        pltpu.VMEM((CHUNK,), jnp.float32),
        pltpu.VMEM((DEG_SLICE,), jnp.float32),
        pltpu.VMEM_SHARED((NPAD,), jnp.float32),
        [pltpu.SemaphoreType.DMA for _ in range(8)],
        [pltpu.SemaphoreType.DMA for _ in range(8)],
    ],
)
def _deg_kernel(row_hbm, zeros_hbm, ones_hbm, deg_hbm,
                I, ones_v, zv, acc, SI, SS):
    c = lax.axis_index("c")
    s = lax.axis_index("s")
    w = c * NS + s

    def start_idx(g, q):
        pltpu.async_copy(row_hbm.at[pl.ds((w + g * NW) * CHUNK, CHUNK)],
                         I[q], SI[q])

    def wait_idx(g, q):
        pltpu.make_async_copy(row_hbm.at[pl.ds((w + g * NW) * CHUNK, CHUNK)],
                              I[q], SI[q]).wait()

    def wait_scatter(q):
        pltpu.make_async_copy(ones_v, acc.at[I[q]], SS[q]).wait()

    pltpu.sync_copy(zeros_hbm, zv)
    pltpu.sync_copy(zv, acc.at[pl.ds(s * DEG_SLICE, DEG_SLICE)])
    pltpu.sync_copy(ones_hbm, ones_v)
    plsc.subcore_barrier()

    for q in range(6):
        start_idx(q, q)
    pltpu.async_copy(ones_hbm, ones_v, SS[6])
    pltpu.async_copy(ones_hbm, ones_v, SS[7])

    def body(j, _):
        g0 = j * 8
        for q in range(8):
            g = g0 + q
            q6 = (q + 6) % 8
            wait_idx(g, q)
            pltpu.async_copy(ones_v, acc.at[I[q]], SS[q], add=True)
            wait_scatter(q6)
            start_idx(g + 6, q6)
        return 0

    lax.fori_loop(0, GPW // 8, body, 0)
    wait_scatter(6)
    wait_scatter(7)
    for q in range(6):
        wait_idx(GPW + q, q)
    plsc.subcore_barrier()

    pltpu.sync_copy(acc.at[pl.ds(s * DEG_SLICE, DEG_SLICE)], zv)
    pltpu.sync_copy(zv, deg_hbm.at[pl.ds(c * NPAD + s * DEG_SLICE, DEG_SLICE)])


@functools.partial(
    pl.kernel,
    out_type=jax.ShapeDtypeStruct((NC, NPAD, F), jnp.float32),
    mesh=_mesh,
    scratch_types=[
        [pltpu.VMEM((CH3,), jnp.int32) for _ in range(2)],
        [pltpu.VMEM((CH3,), jnp.int32) for _ in range(2)],
        [pltpu.VMEM((CH3, F), jnp.float32) for _ in range(2)],
        pltpu.VMEM_SHARED((NPAD, F), jnp.float32),
        [pltpu.SemaphoreType.DMA for _ in range(2)],
        [pltpu.SemaphoreType.DMA for _ in range(2)],
        [pltpu.SemaphoreType.DMA for _ in range(2)],
    ],
)
def _seg_kernel(xs_hbm, row_hbm, col_hbm, zblk_hbm, s_hbm,
                RI, CI, RV, acc, SR, SC, SG):
    c = lax.axis_index("c")
    s = lax.axis_index("s")
    w = c * NS + s

    def base(g):
        return (w + g * NW) * CH3

    def start_idx(g, q):
        pltpu.async_copy(row_hbm.at[pl.ds(base(g), CH3)], RI[q], SR[q])
        pltpu.async_copy(col_hbm.at[pl.ds(base(g), CH3)], CI[q], SC[q])

    def wait_row_idx(g, q):
        pltpu.make_async_copy(row_hbm.at[pl.ds(base(g), CH3)], RI[q], SR[q]).wait()

    def wait_col_idx(g, q):
        pltpu.make_async_copy(col_hbm.at[pl.ds(base(g), CH3)], CI[q], SC[q]).wait()

    def start_gather(q):
        pltpu.async_copy(xs_hbm.at[RI[q]], RV[q], SG[q])

    def wait_gather(q):
        pltpu.make_async_copy(xs_hbm.at[RI[q]], RV[q], SG[q]).wait()

    pltpu.sync_copy(zblk_hbm, RV[0])
    for j in range(ROWS_T // CH3):
        pltpu.sync_copy(RV[0], acc.at[pl.ds(s * ROWS_T + j * CH3, CH3)])
    plsc.subcore_barrier()

    start_idx(0, 0)
    wait_row_idx(0, 0)
    start_gather(0)
    start_idx(1, 1)

    def body(j, _):
        g0 = j * 2
        for p in range(2):
            g = g0 + p
            wait_row_idx(g + 1, 1 - p)
            start_gather(1 - p)
            wait_gather(p)
            pltpu.async_copy(row_hbm.at[pl.ds(base(g + 2), CH3)], RI[p], SR[p])
            wait_col_idx(g, p)
            pltpu.sync_copy(RV[p], acc.at[CI[p]], add=True)
            pltpu.async_copy(col_hbm.at[pl.ds(base(g + 2), CH3)], CI[p], SC[p])
        return 0

    lax.fori_loop(0, GPW3 // 2, body, 0)

    wait_row_idx(GPW3 + 1, 1)
    wait_col_idx(GPW3 + 1, 1)
    wait_gather(0)
    wait_col_idx(GPW3, 0)
    plsc.subcore_barrier()

    pltpu.sync_copy(acc.at[pl.ds(s * ROWS_T, ROWS_T)],
                    s_hbm.at[c, pl.ds(s * ROWS_T, ROWS_T)])


_RB = 400


def _k2_body(x_ref, dega_ref, degb_ref, w0_ref, w1_ref, b_ref,
             xs_ref, z0_ref, dinv_ref):
    x = x_ref[...]
    deg = dega_ref[...] + degb_ref[...]
    dinv = jnp.where(deg > 0, lax.rsqrt(deg), 0.0)
    xs_ref[...] = dinv * jnp.dot(x, w1_ref[...], preferred_element_type=jnp.float32)
    z0_ref[...] = jnp.dot(x, w0_ref[...], preferred_element_type=jnp.float32) + b_ref[...]
    dinv_ref[...] = dinv


def _k4_body(z0_ref, dinv_ref, s_ref, o_ref):
    stot = s_ref[0] + s_ref[1]
    o_ref[...] = jnp.maximum(z0_ref[...] - dinv_ref[...] * stot, 0.0)


def kernel(x, adj, W0, W1, b):
    row = adj[0]
    col = adj[1]
    pad_i = jnp.arange(E_PAD - E, dtype=jnp.int32)
    dummy = N + pad_i % (NPAD - N)
    row_g = jnp.concatenate([row, pad_i % N])
    col_s = jnp.concatenate([col, dummy])
    row_d = jnp.concatenate([row, dummy])
    zeros_deg = jnp.zeros((DEG_SLICE,), jnp.float32)
    ones_chunk = jnp.ones((CHUNK,), jnp.float32)
    zblk = jnp.zeros((CH3, F), jnp.float32)

    deg = _deg_kernel(row_d, zeros_deg, ones_chunk)
    dega = deg[:N, None]
    degb = deg[NPAD:NPAD + N, None]

    xs, z0, dinv = pl.pallas_call(
        _k2_body,
        grid=(N // _RB,),
        in_specs=[
            pl.BlockSpec((_RB, F), lambda i: (i, 0)),
            pl.BlockSpec((_RB, 1), lambda i: (i, 0)),
            pl.BlockSpec((_RB, 1), lambda i: (i, 0)),
            pl.BlockSpec((F, F), lambda i: (0, 0)),
            pl.BlockSpec((F, F), lambda i: (0, 0)),
            pl.BlockSpec((1, F), lambda i: (0, 0)),
        ],
        out_specs=[
            pl.BlockSpec((_RB, F), lambda i: (i, 0)),
            pl.BlockSpec((_RB, F), lambda i: (i, 0)),
            pl.BlockSpec((_RB, 1), lambda i: (i, 0)),
        ],
        out_shape=[
            jax.ShapeDtypeStruct((N, F), jnp.float32),
            jax.ShapeDtypeStruct((N, F), jnp.float32),
            jax.ShapeDtypeStruct((N, 1), jnp.float32),
        ],
    )(x, dega, degb, W0, W1, b.reshape(1, F))

    S = _seg_kernel(xs, row_g, col_s, zblk)

    out = pl.pallas_call(
        _k4_body,
        grid=(N // _RB,),
        in_specs=[
            pl.BlockSpec((_RB, F), lambda i: (i, 0)),
            pl.BlockSpec((_RB, 1), lambda i: (i, 0)),
            pl.BlockSpec((NC, _RB, F), lambda i: (0, i, 0)),
        ],
        out_specs=pl.BlockSpec((_RB, F), lambda i: (i, 0)),
        out_shape=jax.ShapeDtypeStruct((N, F), jnp.float32),
    )(z0, dinv, S)
    return out

# --- scband reference (transcript-rebuilt; emitter-appended) ---
"""Pipeline reference for scband-cheb-gcn1-15839839387777 (READ-ONLY COPY).

The authoritative reference and input builder live on the scoring server;
editing this copy changes nothing except your own understanding.
"""

import jax, jax.numpy as jnp
import numpy as np

N_NODES = 10000
N_EDGES = 320000
F_IN = 128
F_OUT = 128


def setup_inputs(seed: int = 0) -> dict:
    key = jax.random.key(seed)
    k1, k2, k3, k4 = jax.random.split(key, 4)
    x = jax.random.normal(k1, (N_NODES, F_IN), dtype=jnp.float32)
    adj = jax.random.randint(k2, (2, N_EDGES), 0, N_NODES, dtype=jnp.int32)
    # ChebConv(K=2) parameters: two weight matrices (lins[0], lins[1]) + bias
    glorot = np.sqrt(6.0 / (F_IN + F_OUT))
    W0 = jax.random.uniform(k3, (F_IN, F_OUT), dtype=jnp.float32, minval=-glorot, maxval=glorot)
    W1 = jax.random.uniform(k4, (F_IN, F_OUT), dtype=jnp.float32, minval=-glorot, maxval=glorot)
    b = jnp.zeros((F_OUT,), dtype=jnp.float32)
    return {"x": x, "adj": adj, "W0": W0, "W1": W1, "b": b}


def reference(x, adj, W0, W1, b):
    # Faithful translation of ChebGCN1.forward: relu(ChebConv(nfeat, nclass, K=2)(x, edge_index))
    # PyG ChebConv with default lambda_max=2.0 and sym normalization:
    #   L_hat = 2/lambda_max * (I - D^{-1/2} A D^{-1/2}) - I = -D^{-1/2} A D^{-1/2}
    #   Tx_0 = x ; Tx_1 = L_hat @ x ; out = Tx_0 @ W0 + Tx_1 @ W1 + b
    row = adj[0]
    col = adj[1]
    ew = jnp.ones((row.shape[0],), dtype=x.dtype)
    deg = jax.ops.segment_sum(ew, row, num_segments=N_NODES)
    deg_inv_sqrt = jnp.where(deg > 0, 1.0 / jnp.sqrt(deg), 0.0)
    # get_laplacian(sym): off-diagonal weights = -d^{-1/2}_row * d^{-1/2}_col
    # (diagonal +1 from I cancels with the -1 self-loops added by ChebConv)
    norm = -(deg_inv_sqrt[row] * ew * deg_inv_sqrt[col])
    # propagate: message = norm * x_j (j = source = row), aggregate sum at target = col
    Tx1 = jax.ops.segment_sum(norm[:, None] * jnp.take(x, row, axis=0), col, num_segments=N_NODES)
    out = x @ W0 + Tx1 @ W1 + b
    return jax.nn.relu(out)

if __name__ == "__main__":
    import jax
    _d = setup_inputs()
    print(jax.jit(kernel)(*tuple(_d.values())))

</pallas_src>

<mosaic_0001>
#map = affine_map<(d0, d1) -> (0)>
module attributes {stable_mosaic.version = 14 : i64} {
  func.func @_deg_kernel(%arg0: i32, %arg1: i32, %arg2: memref<352256xi32, #tpu.memory_space<hbm>>, %arg3: memref<640xf32, #tpu.memory_space<hbm>>, %arg4: memref<128xf32, #tpu.memory_space<hbm>>, %arg5: memref<20480xf32, #tpu.memory_space<hbm>>, %arg6: memref<128xi32, #tpu.memory_space<vmem>>, %arg7: memref<128xi32, #tpu.memory_space<vmem>>, %arg8: memref<128xi32, #tpu.memory_space<vmem>>, %arg9: memref<128xi32, #tpu.memory_space<vmem>>, %arg10: memref<128xi32, #tpu.memory_space<vmem>>, %arg11: memref<128xi32, #tpu.memory_space<vmem>>, %arg12: memref<128xi32, #tpu.memory_space<vmem>>, %arg13: memref<128xi32, #tpu.memory_space<vmem>>, %arg14: memref<128xf32, #tpu.memory_space<vmem>>, %arg15: memref<640xf32, #tpu.memory_space<vmem>>, %arg16: memref<10240xf32, #tpu.memory_space<vmem_shared>>, %arg17: memref<!tpu.dma_semaphore, #tpu.memory_space<semaphore_mem>>, %arg18: memref<!tpu.dma_semaphore, #tpu.memory_space<semaphore_mem>>, %arg19: memref<!tpu.dma_semaphore, #tpu.memory_space<semaphore_mem>>, %arg20: memref<!tpu.dma_semaphore, #tpu.memory_space<semaphore_mem>>, %arg21: memref<!tpu.dma_semaphore, #tpu.memory_space<semaphore_mem>>, %arg22: memref<!tpu.dma_semaphore, #tpu.memory_space<semaphore_mem>>, %arg23: memref<!tpu.dma_semaphore, #tpu.memory_space<semaphore_mem>>, %arg24: memref<!tpu.dma_semaphore, #tpu.memory_space<semaphore_mem>>, %arg25: memref<!tpu.dma_semaphore, #tpu.memory_space<semaphore_mem>>, %arg26: memref<!tpu.dma_semaphore, #tpu.memory_space<semaphore_mem>>, %arg27: memref<!tpu.dma_semaphore, #tpu.memory_space<semaphore_mem>>, %arg28: memref<!tpu.dma_semaphore, #tpu.memory_space<semaphore_mem>>, %arg29: memref<!tpu.dma_semaphore, #tpu.memory_space<semaphore_mem>>, %arg30: memref<!tpu.dma_semaphore, #tpu.memory_space<semaphore_mem>>, %arg31: memref<!tpu.dma_semaphore, #tpu.memory_space<semaphore_mem>>, %arg32: memref<!tpu.dma_semaphore, #tpu.memory_space<semaphore_mem>>) attributes {dimension_semantics = [#tpu.dimension_semantics<core_parallel>, #tpu.dimension_semantics<subcore_parallel>], iteration_bounds = array<i64: 2, 16>, scalar_prefetch = 0 : i64, scratch_operands = 27 : i64, tpu.core_type = #tpu.core_type<sc_vector_subcore>, window_params = [{transform_indices = #map}, {transform_indices = #map}, {transform_indices = #map}, {transform_indices = #map}]} {
    %mul3A = arith.constant 16 : i32
    %mul3A_0 = arith.muli %arg0, %mul3A : i32
    %add3A = arith.addi %mul3A_0, %arg1 : i32
    "tpu.region"() ({
      %run_scoped3A = tpu.sem_alloc : memref<!tpu.dma_semaphore, #tpu.memory_space<semaphore_mem>>
      tpu.enqueue_dma source(%arg3 : memref<640xf32, #tpu.memory_space<hbm>>) target(%arg15 : memref<640xf32, #tpu.memory_space<vmem>>) target_semaphore(%run_scoped3A : memref<!tpu.dma_semaphore, #tpu.memory_space<semaphore_mem>>)
      tpu.wait_dma2 semaphore(%run_scoped3A : memref<!tpu.dma_semaphore, #tpu.memory_space<semaphore_mem>>) src(%arg3 : memref<640xf32, #tpu.memory_space<hbm>>) dst(%arg15 : memref<640xf32, #tpu.memory_space<vmem>>)
      tpu.yield
    }) : () -> ()
    %mul3A_1 = arith.constant 640 : i32
    %mul3A_2 = arith.muli %arg1, %mul3A_1 : i32
    "tpu.region"() ({
      %run_scoped3A = tpu.sem_alloc : memref<!tpu.dma_semaphore, #tpu.memory_space<semaphore_mem>>
      %dma_start3A_91 = tpu.memref_slice %arg16[%mul3A_2] : memref<10240xf32, #tpu.memory_space<vmem_shared>> -> memref<640xf32, #tpu.memory_space<vmem_shared>>
      %dma_start3A_92 = tpu.memref_slice %arg16[%mul3A_2] : memref<10240xf32, #tpu.memory_space<vmem_shared>> -> memref<640xf32, #tpu.memory_space<vmem_shared>>
      tpu.enqueue_dma source(%arg15 : memref<640xf32, #tpu.memory_space<vmem>>) target(%dma_start3A_92 : memref<640xf32, #tpu.memory_space<vmem_shared>>) target_semaphore(%run_scoped3A : memref<!tpu.dma_semaphore, #tpu.memory_space<semaphore_mem>>)
      %dma_wait3A_93 = tpu.memref_slice %arg16[%mul3A_2] : memref<10240xf32, #tpu.memory_space<vmem_shared>> -> memref<640xf32, #tpu.memory_space<vmem_shared>>
      %dma_wait3A_94 = tpu.memref_slice %arg16[%mul3A_2] : memref<10240xf32, #tpu.memory_space<vmem_shared>> -> memref<640xf32, #tpu.memory_space<vmem_shared>>
      tpu.wait_dma2 semaphore(%run_scoped3A : memref<!tpu.dma_semaphore, #tpu.memory_space<semaphore_mem>>) src(%arg15 : memref<640xf32, #tpu.memory_space<vmem>>) dst(%dma_wait3A_94 : memref<640xf32, #tpu.memory_space<vmem_shared>>)
      tpu.yield
    }) : () -> ()
    "tpu.region"() ({
      %run_scoped3A = tpu.sem_alloc : memref<!tpu.dma_semaphore, #tpu.memory_space<semaphore_mem>>
      tpu.enqueue_dma source(%arg4 : memref<128xf32, #tpu.memory_space<hbm>>) target(%arg14 : memref<128xf32, #tpu.memory_space<vmem>>) target_semaphore(%run_scoped3A : memref<!tpu.dma_semaphore, #tpu.memory_space<semaphore_mem>>)
      tpu.wait_dma2 semaphore(%run_scoped3A : memref<!tpu.dma_semaphore, #tpu.memory_space<semaphore_mem>>) src(%arg4 : memref<128xf32, #tpu.memory_space<hbm>>) dst(%arg14 : memref<128xf32, #tpu.memory_space<vmem>>)
      tpu.yield
    }) : () -> ()
    %barrier3A = arith.constant 0 : index
    tpu.barrier barrier_id(%barrier3A)
    %add3A_3 = arith.constant 0 : i32
    %add3A_4 = arith.addi %add3A, %add3A_3 : i32
    %mul3A_5 = arith.constant 128 : i32
    %mul3A_6 = arith.muli %add3A_4, %mul3A_5 : i32
    %dma_start3A = tpu.memref_slice %arg2[%mul3A_6] : memref<352256xi32, #tpu.memory_space<hbm>> -> memref<128xi32, #tpu.memory_space<hbm>>
    %dma_start3A_7 = tpu.memref_slice %arg2[%mul3A_6] : memref<352256xi32, #tpu.memory_space<hbm>> -> memref<128xi32, #tpu.memory_space<hbm>>
    tpu.enqueue_dma source(%dma_start3A_7 : memref<128xi32, #tpu.memory_space<hbm>>) target(%arg6 : memref<128xi32, #tpu.memory_space<vmem>>) target_semaphore(%arg17 : memref<!tpu.dma_semaphore, #tpu.memory_space<semaphore_mem>>)
    %add3A_8 = arith.constant 32 : i32
    %add3A_9 = arith.addi %add3A, %add3A_8 : i32
    %mul3A_10 = arith.constant 128 : i32
    %mul3A_11 = arith.muli %add3A_9, %mul3A_10 : i32
    %dma_start3A_12 = tpu.memref_slice %arg2[%mul3A_11] : memref<352256xi32, #tpu.memory_space<hbm>> -> memref<128xi32, #tpu.memory_space<hbm>>
    %dma_start3A_13 = tpu.memref_slice %arg2[%mul3A_11] : memref<352256xi32, #tpu.memory_space<hbm>> -> memref<128xi32, #tpu.memory_space<hbm>>
    tpu.enqueue_dma source(%dma_start3A_13 : memref<128xi32, #tpu.memory_space<hbm>>) target(%arg7 : memref<128xi32, #tpu.memory_space<vmem>>) target_semaphore(%arg18 : memref<!tpu.dma_semaphore, #tpu.memory_space<semaphore_mem>>)
    %add3A_14 = arith.constant 64 : i32
    %add3A_15 = arith.addi %add3A, %add3A_14 : i32
    %mul3A_16 = arith.constant 128 : i32
    %mul3A_17 = arith.muli %add3A_15, %mul3A_16 : i32
    %dma_start3A_18 = tpu.memref_slice %arg2[%mul3A_17] : memref<352256xi32, #tpu.memory_space<hbm>> -> memref<128xi32, #tpu.memory_space<hbm>>
    %dma_start3A_19 = tpu.memref_slice %arg2[%mul3A_17] : memref<352256xi32, #tpu.memory_space<hbm>> -> memref<128xi32, #tpu.memory_space<hbm>>
    tpu.enqueue_dma source(%dma_start3A_19 : memref<128xi32, #tpu.memory_space<hbm>>) target(%arg8 : memref<128xi32, #tpu.memory_space<vmem>>) target_semaphore(%arg19 : memref<!tpu.dma_semaphore, #tpu.memory_space<semaphore_mem>>)
    %add3A_20 = arith.constant 96 : i32
    %add3A_21 = arith.addi %add3A, %add3A_20 : i32
    %mul3A_22 = arith.constant 128 : i32
    %mul3A_23 = arith.muli %add3A_21, %mul3A_22 : i32
    %dma_start3A_24 = tpu.memref_slice %arg2[%mul3A_23] : memref<352256xi32, #tpu.memory_space<hbm>> -> memref<128xi32, #tpu.memory_space<hbm>>
    %dma_start3A_25 = tpu.memref_slice %arg2[%mul3A_23] : memref<352256xi32, #tpu.memory_space<hbm>> -> memref<128xi32, #tpu.memory_space<hbm>>
    tpu.enqueue_dma source(%dma_start3A_25 : memref<128xi32, #tpu.memory_space<hbm>>) target(%arg9 : memref<128xi32, #tpu.memory_space<vmem>>) target_semaphore(%arg20 : memref<!tpu.dma_semaphore, #tpu.memory_space<semaphore_mem>>)
    %add3A_26 = arith.constant 128 : i32
    %add3A_27 = arith.addi %add3A, %add3A_26 : i32
    %mul3A_28 = arith.constant 128 : i32
    %mul3A_29 = arith.muli %add3A_27, %mul3A_28 : i32
    %dma_start3A_30 = tpu.memref_slice %arg2[%mul3A_29] : memref<352256xi32, #tpu.memory_space<hbm>> -> memref<128xi32, #tpu.memory_space<hbm>>
    %dma_start3A_31 = tpu.memref_slice %arg2[%mul3A_29] : memref<352256xi32, #tpu.memory_space<hbm>> -> memref<128xi32, #tpu.memory_space<hbm>>
    tpu.enqueue_dma source(%dma_start3A_31 : memref<128xi32, #tpu.memory_space<hbm>>) target(%arg10 : memref<128xi32, #tpu.memory_space<vmem>>) target_semaphore(%arg21 : memref<!tpu.dma_semaphore, #tpu.memory_space<semaphore_mem>>)
    %add3A_32 = arith.constant 160 : i32
    %add3A_33 = arith.addi %add3A, %add3A_32 : i32
    %mul3A_34 = arith.constant 128 : i32
    %mul3A_35 = arith.muli %add3A_33, %mul3A_34 : i32
    %dma_start3A_36 = tpu.memref_slice %arg2[%mul3A_35] : memref<352256xi32, #tpu.memory_space<hbm>> -> memref<128xi32, #tpu.memory_space<hbm>>
    %dma_start3A_37 = tpu.memref_slice %arg2[%mul3A_35] : memref<352256xi32, #tpu.memory_space<hbm>> -> memref<128xi32, #tpu.memory_space<hbm>>
    tpu.enqueue_dma source(%dma_start3A_37 : memref<128xi32, #tpu.memory_space<hbm>>) target(%arg11 : memref<128xi32, #tpu.memory_space<vmem>>) target_semaphore(%arg22 : memref<!tpu.dma_semaphore, #tpu.memory_space<semaphore_mem>>)
    tpu.enqueue_dma source(%arg4 : memref<128xf32, #tpu.memory_space<hbm>>) target(%arg14 : memref<128xf32, #tpu.memory_space<vmem>>) target_semaphore(%arg31 : memref<!tpu.dma_semaphore, #tpu.memory_space<semaphore_mem>>)
    tpu.enqueue_dma source(%arg4 : memref<128xf32, #tpu.memory_space<hbm>>) target(%arg14 : memref<128xf32, #tpu.memory_space<vmem>>) target_semaphore(%arg32 : memref<!tpu.dma_semaphore, #tpu.memory_space<semaphore_mem>>)
    %scan3A = arith.constant 0 : i32
    %scan3A_38 = arith.constant 0 : i32
    %scan3A_39 = arith.constant 10 : i32
    %scan3A_40 = arith.addi %scan3A_38, %scan3A_39 : i32
    %scan3A_41 = arith.constant 1 : i32
    %scan3A_42 = scf.for %scan3A_91 = %scan3A_38 to %scan3A_40 step %scan3A_41 iter_args(%scan3A_92 = %scan3A) -> (i32)  : i32 {
      %mul3A_93 = arith.constant 8 : i32
      %mul3A_94 = arith.muli %scan3A_91, %mul3A_93 : i32
      %add3A_95 = arith.constant 0 : i32
      %add3A_96 = arith.addi %mul3A_94, %add3A_95 : i32
      %mul3A_97 = arith.constant 32 : i32
      %mul3A_98 = arith.muli %add3A_96, %mul3A_97 : i32
      %add3A_99 = arith.addi %add3A, %mul3A_98 : i32
      %mul3A_100 = arith.constant 128 : i32
      %mul3A_101 = arith.muli %add3A_99, %mul3A_100 : i32
      %dma_wait3A_102 = tpu.memref_slice %arg2[%mul3A_101] : memref<352256xi32, #tpu.memory_space<hbm>> -> memref<128xi32, #tpu.memory_space<hbm>>
      %dma_wait3A_103 = tpu.memref_slice %arg2[%mul3A_101] : memref<352256xi32, #tpu.memory_space<hbm>> -> memref<128xi32, #tpu.memory_space<hbm>>
      tpu.wait_dma2 semaphore(%arg17 : memref<!tpu.dma_semaphore, #tpu.memory_space<semaphore_mem>>) src(%dma_wait3A_103 : memref<128xi32, #tpu.memory_space<hbm>>) dst(%arg6 : memref<128xi32, #tpu.memory_space<vmem>>)
      %dma_start3A_104 = arith.constant 0 : i32
      %dma_start3A_105 = tpu.memref_slice %arg16[%dma_start3A_104] : memref<10240xf32, #tpu.memory_space<vmem_shared>> -> memref<10240xf32, #tpu.memory_space<vmem_shared>>
      tpu.enqueue_indirect_dma source(%arg14 : memref<128xf32, #tpu.memory_space<vmem>>) target(%dma_start3A_105 : memref<10240xf32, #tpu.memory_space<vmem_shared>>) offsets(%arg6 : memref<128xi32, #tpu.memory_space<vmem>>) semaphore(%arg25 : memref<!tpu.dma_semaphore, #tpu.memory_space<semaphore_mem>>) {add = true}
      %dma_wait3A_106 = arith.constant 0 : i32
      %dma_wait3A_107 = tpu.memref_slice %arg16[%dma_wait3A_106] : memref<10240xf32, #tpu.memory_space<vmem_shared>> -> memref<10240xf32, #tpu.memory_space<vmem_shared>>
      tpu.wait_indirect_dma semaphore(%arg31 : memref<!tpu.dma_semaphore, #tpu.memory_space<semaphore_mem>>) src(%arg14 : memref<128xf32, #tpu.memory_space<vmem>>) dst(%dma_wait3A_107 : memref<10240xf32, #tpu.memory_space<vmem_shared>>)
      %add3A_108 = arith.constant 6 : i32
      %add3A_109 = arith.addi %add3A_96, %add3A_108 : i32
      %mul3A_110 = arith.constant 32 : i32
      %mul3A_111 = arith.muli %add3A_109, %mul3A_110 : i32
      %add3A_112 = arith.addi %add3A, %mul3A_111 : i32
      %mul3A_113 = arith.constant 128 : i32
      %mul3A_114 = arith.muli %add3A_112, %mul3A_113 : i32
      %dma_start3A_115 = tpu.memref_slice %arg2[%mul3A_114] : memref<352256xi32, #tpu.memory_space<hbm>> -> memref<128xi32, #tpu.memory_space<hbm>>
      %dma_start3A_116 = tpu.memref_slice %arg2[%mul3A_114] : memref<352256xi32, #tpu.memory_space<hbm>> -> memref<128xi32, #tpu.memory_space<hbm>>
      tpu.enqueue_dma source(%dma_start3A_116 : memref<128xi32, #tpu.memory_space<hbm>>) target(%arg12 : memref<128xi32, #tpu.memory_space<vmem>>) target_semaphore(%arg23 : memref<!tpu.dma_semaphore, #tpu.memory_space<semaphore_mem>>)
      %add3A_117 = arith.constant 1 : i32
      %add3A_118 = arith.addi %mul3A_94, %add3A_117 : i32
      %mul3A_119 = arith.constant 32 : i32
      %mul3A_120 = arith.muli %add3A_118, %mul3A_119 : i32
      %add3A_121 = arith.addi %add3A, %mul3A_120 : i32
      %mul3A_122 = arith.constant 128 : i32
      %mul3A_123 = arith.muli %add3A_121, %mul3A_122 : i32
      %dma_wait3A_124 = tpu.memref_slice %arg2[%mul3A_123] : memref<352256xi32, #tpu.memory_space<hbm>> -> memref<128xi32, #tpu.memory_space<hbm>>
      %dma_wait3A_125 = tpu.memref_slice %arg2[%mul3A_123] : memref<352256xi32, #tpu.memory_space<hbm>> -> memref<128xi32, #tpu.memory_space<hbm>>
      tpu.wait_dma2 semaphore(%arg18 : memref<!tpu.dma_semaphore, #tpu.memory_space<semaphore_mem>>) src(%dma_wait3A_125 : memref<128xi32, #tpu.memory_space<hbm>>) dst(%arg7 : memref<128xi32, #tpu.memory_space<vmem>>)
      %dma_start3A_126 = arith.constant 0 : i32
      %dma_start3A_127 = tpu.memref_slice %arg16[%dma_start3A_126] : memref<10240xf32, #tpu.memory_space<vmem_shared>> -> memref<10240xf32, #tpu.memory_space<vmem_shared>>
      tpu.enqueue_indirect_dma source(%arg14 : memref<128xf32, #tpu.memory_space<vmem>>) target(%dma_start3A_127 : memref<10240xf32, #tpu.memory_space<vmem_shared>>) offsets(%arg7 : memref<128xi32, #tpu.memory_space<vmem>>) semaphore(%arg26 : memref<!tpu.dma_semaphore, #tpu.memory_space<semaphore_mem>>) {add = true}
      %dma_wait3A_128 = arith.constant 0 : i32
      %dma_wait3A_129 = tpu.memref_slice %arg16[%dma_wait3A_128] : memref<10240xf32, #tpu.memory_space<vmem_shared>> -> memref<10240xf32, #tpu.memory_space<vmem_shared>>
      tpu.wait_indirect_dma semaphore(%arg32 : memref<!tpu.dma_semaphore, #tpu.memory_space<semaphore_mem>>) src(%arg14 : memref<128xf32, #tpu.memory_space<vmem>>) dst(%dma_wait3A_129 : memref<10240xf32, #tpu.memory_space<vmem_shared>>)
      %add3A_130 = arith.constant 6 : i32
      %add3A_131 = arith.addi %add3A_118, %add3A_130 : i32
      %mul3A_132 = arith.constant 32 : i32
      %mul3A_133 = arith.muli %add3A_131, %mul3A_132 : i32
      %add3A_134 = arith.addi %add3A, %mul3A_133 : i32
      %mul3A_135 = arith.constant 128 : i32
      %mul3A_136 = arith.muli %add3A_134, %mul3A_135 : i32
      %dma_start3A_137 = tpu.memref_slice %arg2[%mul3A_136] : memref<352256xi32, #tpu.memory_space<hbm>> -> memref<128xi32, #tpu.memory_space<hbm>>
      %dma_start3A_138 = tpu.memref_slice %arg2[%mul3A_136] : memref<352256xi32, #tpu.memory_space<hbm>> -> memref<128xi32, #tpu.memory_space<hbm>>
      tpu.enqueue_dma source(%dma_start3A_138 : memref<128xi32, #tpu.memory_space<hbm>>) target(%arg13 : memref<128xi32, #tpu.memory_space<vmem>>) target_semaphore(%arg24 : memref<!tpu.dma_semaphore, #tpu.memory_space<semaphore_mem>>)
      %add3A_139 = arith.constant 2 : i32
      %add3A_140 = arith.addi %mul3A_94, %add3A_139 : i32
      %mul3A_141 = arith.constant 32 : i32
      %mul3A_142 = arith.muli %add3A_140, %mul3A_141 : i32
      %add3A_143 = arith.addi %add3A, %mul3A_142 : i32
      %mul3A_144 = arith.constant 128 : i32
      %mul3A_145 = arith.muli %add3A_143, %mul3A_144 : i32
      %dma_wait3A_146 = tpu.memref_slice %arg2[%mul3A_145] : memref<352256xi32, #tpu.memory_space<hbm>> -> memref<128xi32, #tpu.memory_space<hbm>>
      %dma_wait3A_147 = tpu.memref_slice %arg2[%mul3A_145] : memref<352256xi32, #tpu.memory_space<hbm>> -> memref<128xi32, #tpu.memory_space<hbm>>
      tpu.wait_dma2 semaphore(%arg19 : memref<!tpu.dma_semaphore, #tpu.memory_space<semaphore_mem>>) src(%dma_wait3A_147 : memref<128xi32, #tpu.memory_space<hbm>>) dst(%arg8 : memref<128xi32, #tpu.memory_space<vmem>>)
      %dma_start3A_148 = arith.constant 0 : i32
      %dma_start3A_149 = tpu.memref_slice %arg16[%dma_start3A_148] : memref<10240xf32, #tpu.memory_space<vmem_shared>> -> memref<10240xf32, #tpu.memory_space<vmem_shared>>
      tpu.enqueue_indirect_dma source(%arg14 : memref<128xf32, #tpu.memory_space<vmem>>) target(%dma_start3A_149 : memref<10240xf32, #tpu.memory_space<vmem_shared>>) offsets(%arg8 : memref<128xi32, #tpu.memory_space<vmem>>) semaphore(%arg27 : memref<!tpu.dma_semaphore, #tpu.memory_space<semaphore_mem>>) {add = true}
      %dma_wait3A_150 = arith.constant 0 : i32
      %dma_wait3A_151 = tpu.memref_slice %arg16[%dma_wait3A_150] : memref<10240xf32, #tpu.memory_space<vmem_shared>> -> memref<10240xf32, #tpu.memory_space<vmem_shared>>
      tpu.wait_indirect_dma semaphore(%arg25 : memref<!tpu.dma_semaphore, #tpu.memory_space<semaphore_mem>>) src(%arg14 : memref<128xf32, #tpu.memory_space<vmem>>) dst(%dma_wait3A_151 : memref<10240xf32, #tpu.memory_space<vmem_shared>>)
      %add3A_152 = arith.constant 6 : i32
      %add3A_153 = arith.addi %add3A_140, %add3A_152 : i32
      %mul3A_154 = arith.constant 32 : i32
      %mul3A_155 = arith.muli %add3A_153, %mul3A_154 : i32
      %add3A_156 = arith.addi %add3A, %mul3A_155 : i32
      %mul3A_157 = arith.constant 128 : i32
      %mul3A_158 = arith.muli %add3A_156, %mul3A_157 : i32
      %dma_start3A_159 = tpu.memref_slice %arg2[%mul3A_158] : memref<352256xi32, #tpu.memory_space<hbm>> -> memref<128xi32, #tpu.memory_space<hbm>>
      %dma_start3A_160 = tpu.memref_slice %arg2[%mul3A_158] : memref<352256xi32, #tpu.memory_space<hbm>> -> memref<128xi32, #tpu.memory_space<hbm>>
      tpu.enqueue_dma source(%dma_start3A_160 : memref<128xi32, #tpu.memory_space<hbm>>) target(%arg6 : memref<128xi32, #tpu.memory_space<vmem>>) target_semaphore(%arg17 : memref<!tpu.dma_semaphore, #tpu.memory_space<semaphore_mem>>)
      %add3A_161 = arith.constant 3 : i32
      %add3A_162 = arith.addi %mul3A_94, %add3A_161 : i32
      %mul3A_163 = arith.constant 32 : i32
      %mul3A_164 = arith.muli %add3A_162, %mul3A_163 : i32
      %add3A_165 = arith.addi %add3A, %mul3A_164 : i32
      %mul3A_166 = arith.constant 128 : i32
      %mul3A_167 = arith.muli %add3A_165, %mul3A_166 : i32
      %dma_wait3A_168 = tpu.memref_slice %arg2[%mul3A_167] : memref<352256xi32, #tpu.memory_space<hbm>> -> memref<128xi32, #tpu.memory_space<hbm>>
      %dma_wait3A_169 = tpu.memref_slice %arg2[%mul3A_167] : memref<352256xi32, #tpu.memory_space<hbm>> -> memref<128xi32, #tpu.memory_space<hbm>>
      tpu.wait_dma2 semaphore(%arg20 : memref<!tpu.dma_semaphore, #tpu.memory_space<semaphore_mem>>) src(%dma_wait3A_169 : memref<128xi32, #tpu.memory_space<hbm>>) dst(%arg9 : memref<128xi32, #tpu.memory_space<vmem>>)
      %dma_start3A_170 = arith.constant 0 : i32
      %dma_start3A_171 = tpu.memref_slice %arg16[%dma_start3A_170] : memref<10240xf32, #tpu.memory_space<vmem_shared>> -> memref<10240xf32, #tpu.memory_space<vmem_shared>>
      tpu.enqueue_indirect_dma source(%arg14 : memref<128xf32, #tpu.memory_space<vmem>>) target(%dma_start3A_171 : memref<10240xf32, #tpu.memory_space<vmem_shared>>) offsets(%arg9 : memref<128xi32, #tpu.memory_space<vmem>>) semaphore(%arg28 : memref<!tpu.dma_semaphore, #tpu.memory_space<semaphore_mem>>) {add = true}
      %dma_wait3A_172 = arith.constant 0 : i32
      %dma_wait3A_173 = tpu.memref_slice %arg16[%dma_wait3A_172] : memref<10240xf32, #tpu.memory_space<vmem_shared>> -> memref<10240xf32, #tpu.memory_space<vmem_shared>>
      tpu.wait_indirect_dma semaphore(%arg26 : memref<!tpu.dma_semaphore, #tpu.memory_space<semaphore_mem>>) src(%arg14 : memref<128xf32, #tpu.memory_space<vmem>>) dst(%dma_wait3A_173 : memref<10240xf32, #tpu.memory_space<vmem_shared>>)
      %add3A_174 = arith.constant 6 : i32
      %add3A_175 = arith.addi %add3A_162, %add3A_174 : i32
      %mul3A_176 = arith.constant 32 : i32
      %mul3A_177 = arith.muli %add3A_175, %mul3A_176 : i32
      %add3A_178 = arith.addi %add3A, %mul3A_177 : i32
      %mul3A_179 = arith.constant 128 : i32
      %mul3A_180 = arith.muli %add3A_178, %mul3A_179 : i32
      %dma_start3A_181 = tpu.memref_slice %arg2[%mul3A_180] : memref<352256xi32, #tpu.memory_space<hbm>> -> memref<128xi32, #tpu.memory_space<hbm>>
      %dma_start3A_182 = tpu.memref_slice %arg2[%mul3A_180] : memref<352256xi32, #tpu.memory_space<hbm>> -> memref<128xi32, #tpu.memory_space<hbm>>
      tpu.enqueue_dma source(%dma_start3A_182 : memref<128xi32, #tpu.memory_space<hbm>>) target(%arg7 : memref<128xi32, #tpu.memory_space<vmem>>) target_semaphore(%arg18 : memref<!tpu.dma_semaphore, #tpu.memory_space<semaphore_mem>>)
      %add3A_183 = arith.constant 4 : i32
      %add3A_184 = arith.addi %mul3A_94, %add3A_183 : i32
      %mul3A_185 = arith.constant 32 : i32
      %mul3A_186 = arith.muli %add3A_184, %mul3A_185 : i32
      %add3A_187 = arith.addi %add3A, %mul3A_186 : i32
      %mul3A_188 = arith.constant 128 : i32
      %mul3A_189 = arith.muli %add3A_187, %mul3A_188 : i32
      %dma_wait3A_190 = tpu.memref_slice %arg2[%mul3A_189] : memref<352256xi32, #tpu.memory_space<hbm>> -> memref<128xi32, #tpu.memory_space<hbm>>
      %dma_wait3A_191 = tpu.memref_slice %arg2[%mul3A_189] : memref<352256xi32, #tpu.memory_space<hbm>> -> memref<128xi32, #tpu.memory_space<hbm>>
      tpu.wait_dma2 semaphore(%arg21 : memref<!tpu.dma_semaphore, #tpu.memory_space<semaphore_mem>>) src(%dma_wait3A_191 : memref<128xi32, #tpu.memory_space<hbm>>) dst(%arg10 : memref<128xi32, #tpu.memory_space<vmem>>)
      %dma_start3A_192 = arith.constant 0 : i32
      %dma_start3A_193 = tpu.memref_slice %arg16[%dma_start3A_192] : memref<10240xf32, #tpu.memory_space<vmem_shared>> -> memref<10240xf32, #tpu.memory_space<vmem_shared>>
      tpu.enqueue_indirect_dma source(%arg14 : memref<128xf32, #tpu.memory_space<vmem>>) target(%dma_start3A_193 : memref<10240xf32, #tpu.memory_space<vmem_shared>>) offsets(%arg10 : memref<128xi32, #tpu.memory_space<vmem>>) semaphore(%arg29 : memref<!tpu.dma_semaphore, #tpu.memory_space<semaphore_mem>>) {add = true}
      %dma_wait3A_194 = arith.constant 0 : i32
      %dma_wait3A_195 = tpu.memref_slice %arg16[%dma_wait3A_194] : memref<10240xf32, #tpu.memory_space<vmem_shared>> -> memref<10240xf32, #tpu.memory_space<vmem_shared>>
      tpu.wait_indirect_dma semaphore(%arg27 : memref<!tpu.dma_semaphore, #tpu.memory_space<semaphore_mem>>) src(%arg14 : memref<128xf32, #tpu.memory_space<vmem>>) dst(%dma_wait3A_195 : memref<10240xf32, #tpu.memory_space<vmem_shared>>)
      %add3A_196 = arith.constant 6 : i32
      %add3A_197 = arith.addi %add3A_184, %add3A_196 : i32
      %mul3A_198 = arith.constant 32 : i32
      %mul3A_199 = arith.muli %add3A_197, %mul3A_198 : i32
      %add3A_200 = arith.addi %add3A, %mul3A_199 : i32
      %mul3A_201 = arith.constant 128 : i32
      %mul3A_202 = arith.muli %add3A_200, %mul3A_201 : i32
      %dma_start3A_203 = tpu.memref_slice %arg2[%mul3A_202] : memref<352256xi32, #tpu.memory_space<hbm>> -> memref<128xi32, #tpu.memory_space<hbm>>
      %dma_start3A_204 = tpu.memref_slice %arg2[%mul3A_202] : memref<352256xi32, #tpu.memory_space<hbm>> -> memref<128xi32, #tpu.memory_space<hbm>>
      tpu.enqueue_dma source(%dma_start3A_204 : memref<128xi32, #tpu.memory_space<hbm>>) target(%arg8 : memref<128xi32, #tpu.memory_space<vmem>>) target_semaphore(%arg19 : memref<!tpu.dma_semaphore, #tpu.memory_space<semaphore_mem>>)
      %add3A_205 = arith.constant 5 : i32
      %add3A_206 = arith.addi %mul3A_94, %add3A_205 : i32
      %mul3A_207 = arith.constant 32 : i32
      %mul3A_208 = arith.muli %add3A_206, %mul3A_207 : i32
      %add3A_209 = arith.addi %add3A, %mul3A_208 : i32
      %mul3A_210 = arith.constant 128 : i32
      %mul3A_211 = arith.muli %add3A_209, %mul3A_210 : i32
      %dma_wait3A_212 = tpu.memref_slice %arg2[%mul3A_211] : memref<352256xi32, #tpu.memory_space<hbm>> -> memref<128xi32, #tpu.memory_space<hbm>>
      %dma_wait3A_213 = tpu.memref_slice %arg2[%mul3A_211] : memref<352256xi32, #tpu.memory_space<hbm>> -> memref<128xi32, #tpu.memory_space<hbm>>
      tpu.wait_dma2 semaphore(%arg22 : memref<!tpu.dma_semaphore, #tpu.memory_space<semaphore_mem>>) src(%dma_wait3A_213 : memref<128xi32, #tpu.memory_space<hbm>>) dst(%arg11 : memref<128xi32, #tpu.memory_space<vmem>>)
      %dma_start3A_214 = arith.constant 0 : i32
      %dma_start3A_215 = tpu.memref_slice %arg16[%dma_start3A_214] : memref<10240xf32, #tpu.memory_space<vmem_shared>> -> memref<10240xf32, #tpu.memory_space<vmem_shared>>
      tpu.enqueue_indirect_dma source(%arg14 : memref<128xf32, #tpu.memory_space<vmem>>) target(%dma_start3A_215 : memref<10240xf32, #tpu.memory_space<vmem_shared>>) offsets(%arg11 : memref<128xi32, #tpu.memory_space<vmem>>) semaphore(%arg30 : memref<!tpu.dma_semaphore, #tpu.memory_space<semaphore_mem>>) {add = true}
      %dma_wait3A_216 = arith.constant 0 : i32
      %dma_wait3A_217 = tpu.memref_slice %arg16[%dma_wait3A_216] : memref<10240xf32, #tpu.memory_space<vmem_shared>> -> memref<10240xf32, #tpu.memory_space<vmem_shared>>
      tpu.wait_indirect_dma semaphore(%arg28 : memref<!tpu.dma_semaphore, #tpu.memory_space<semaphore_mem>>) src(%arg14 : memref<128xf32, #tpu.memory_space<vmem>>) dst(%dma_wait3A_217 : memref<10240xf32, #tpu.memory_space<vmem_shared>>)
      %add3A_218 = arith.constant 6 : i32
      %add3A_219 = arith.addi %add3A_206, %add3A_218 : i32
      %mul3A_220 = arith.constant 32 : i32
      %mul3A_221 = arith.muli %add3A_219, %mul3A_220 : i32
      %add3A_222 = arith.addi %add3A, %mul3A_221 : i32
      %mul3A_223 = arith.constant 128 : i32
      %mul3A_224 = arith.muli %add3A_222, %mul3A_223 : i32
      %dma_start3A_225 = tpu.memref_slice %arg2[%mul3A_224] : memref<352256xi32, #tpu.memory_space<hbm>> -> memref<128xi32, #tpu.memory_space<hbm>>
      %dma_start3A_226 = tpu.memref_slice %arg2[%mul3A_224] : memref<352256xi32, #tpu.memory_space<hbm>> -> memref<128xi32, #tpu.memory_space<hbm>>
      tpu.enqueue_dma source(%dma_start3A_226 : memref<128xi32, #tpu.memory_space<hbm>>) target(%arg9 : memref<128xi32, #tpu.memory_space<vmem>>) target_semaphore(%arg20 : memref<!tpu.dma_semaphore, #tpu.memory_space<semaphore_mem>>)
      %add3A_227 = arith.constant 6 : i32
      %add3A_228 = arith.addi %mul3A_94, %add3A_227 : i32
      %mul3A_229 = arith.constant 32 : i32
      %mul3A_230 = arith.muli %add3A_228, %mul3A_229 : i32
      %add3A_231 = arith.addi %add3A, %mul3A_230 : i32
      %mul3A_232 = arith.constant 128 : i32
      %mul3A_233 = arith.muli %add3A_231, %mul3A_232 : i32
      %dma_wait3A_234 = tpu.memref_slice %arg2[%mul3A_233] : memref<352256xi32, #tpu.memory_space<hbm>> -> memref<128xi32, #tpu.memory_space<hbm>>
      %dma_wait3A_235 = tpu.memref_slice %arg2[%mul3A_233] : memref<352256xi32, #tpu.memory_space<hbm>> -> memref<128xi32, #tpu.memory_space<hbm>>
      tpu.wait_dma2 semaphore(%arg23 : memref<!tpu.dma_semaphore, #tpu.memory_space<semaphore_mem>>) src(%dma_wait3A_235 : memref<128xi32, #tpu.memory_space<hbm>>) dst(%arg12 : memref<128xi32, #tpu.memory_space<vmem>>)
      %dma_start3A_236 = arith.constant 0 : i32
      %dma_start3A_237 = tpu.memref_slice %arg16[%dma_start3A_236] : memref<10240xf32, #tpu.memory_space<vmem_shared>> -> memref<10240xf32, #tpu.memory_space<vmem_shared>>
      tpu.enqueue_indirect_dma source(%arg14 : memref<128xf32, #tpu.memory_space<vmem>>) target(%dma_start3A_237 : memref<10240xf32, #tpu.memory_space<vmem_shared>>) offsets(%arg12 : memref<128xi32, #tpu.memory_space<vmem>>) semaphore(%arg31 : memref<!tpu.dma_semaphore, #tpu.memory_space<semaphore_mem>>) {add = true}
      %dma_wait3A_238 = arith.constant 0 : i32
      %dma_wait3A_239 = tpu.memref_slice %arg16[%dma_wait3A_238] : memref<10240xf32, #tpu.memory_space<vmem_shared>> -> memref<10240xf32, #tpu.memory_space<vmem_shared>>
      tpu.wait_indirect_dma semaphore(%arg29 : memref<!tpu.dma_semaphore, #tpu.memory_space<semaphore_mem>>) src(%arg14 : memref<128xf32, #tpu.memory_space<vmem>>) dst(%dma_wait3A_239 : memref<10240xf32, #tpu.memory_space<vmem_shared>>)
      %add3A_240 = arith.constant 6 : i32
      %add3A_241 = arith.addi %add3A_228, %add3A_240 : i32
      %mul3A_242 = arith.constant 32 : i32
      %mul3A_243 = arith.muli %add3A_241, %mul3A_242 : i32
      %add3A_244 = arith.addi %add3A, %mul3A_243 : i32
      %mul3A_245 = arith.constant 128 : i32
      %mul3A_246 = arith.muli %add3A_244, %mul3A_245 : i32
      %dma_start3A_247 = tpu.memref_slice %arg2[%mul3A_246] : memref<352256xi32, #tpu.memory_space<hbm>> -> memref<128xi32, #tpu.memory_space<hbm>>
      %dma_start3A_248 = tpu.memref_slice %arg2[%mul3A_246] : memref<352256xi32, #tpu.memory_space<hbm>> -> memref<128xi32, #tpu.memory_space<hbm>>
      tpu.enqueue_dma source(%dma_start3A_248 : memref<128xi32, #tpu.memory_space<hbm>>) target(%arg10 : memref<128xi32, #tpu.memory_space<vmem>>) target_semaphore(%arg21 : memref<!tpu.dma_semaphore, #tpu.memory_space<semaphore_mem>>)
      %add3A_249 = arith.constant 7 : i32
      %add3A_250 = arith.addi %mul3A_94, %add3A_249 : i32
      %mul3A_251 = arith.constant 32 : i32
      %mul3A_252 = arith.muli %add3A_250, %mul3A_251 : i32
      %add3A_253 = arith.addi %add3A, %mul3A_252 : i32
      %mul3A_254 = arith.constant 128 : i32
      %mul3A_255 = arith.muli %add3A_253, %mul3A_254 : i32
      %dma_wait3A_256 = tpu.memref_slice %arg2[%mul3A_255] : memref<352256xi32, #tpu.memory_space<hbm>> -> memref<128xi32, #tpu.memory_space<hbm>>
      %dma_wait3A_257 = tpu.memref_slice %arg2[%mul3A_255] : memref<352256xi32, #tpu.memory_space<hbm>> -> memref<128xi32, #tpu.memory_space<hbm>>
      tpu.wait_dma2 semaphore(%arg24 : memref<!tpu.dma_semaphore, #tpu.memory_space<semaphore_mem>>) src(%dma_wait3A_257 : memref<128xi32, #tpu.memory_space<hbm>>) dst(%arg13 : memref<128xi32, #tpu.memory_space<vmem>>)
      %dma_start3A_258 = arith.constant 0 : i32
      %dma_start3A_259 = tpu.memref_slice %arg16[%dma_start3A_258] : memref<10240xf32, #tpu.memory_space<vmem_shared>> -> memref<10240xf32, #tpu.memory_space<vmem_shared>>
      tpu.enqueue_indirect_dma source(%arg14 : memref<128xf32, #tpu.memory_space<vmem>>) target(%dma_start3A_259 : memref<10240xf32, #tpu.memory_space<vmem_shared>>) offsets(%arg13 : memref<128xi32, #tpu.memory_space<vmem>>) semaphore(%arg32 : memref<!tpu.dma_semaphore, #tpu.memory_space<semaphore_mem>>) {add = true}
      %dma_wait3A_260 = arith.constant 0 : i32
      %dma_wait3A_261 = tpu.memref_slice %arg16[%dma_wait3A_260] : memref<10240xf32, #tpu.memory_space<vmem_shared>> -> memref<10240xf32, #tpu.memory_space<vmem_shared>>
      tpu.wait_indirect_dma semaphore(%arg30 : memref<!tpu.dma_semaphore, #tpu.memory_space<semaphore_mem>>) src(%arg14 : memref<128xf32, #tpu.memory_space<vmem>>) dst(%dma_wait3A_261 : memref<10240xf32, #tpu.memory_space<vmem_shared>>)
      %add3A_262 = arith.constant 6 : i32
      %add3A_263 = arith.addi %add3A_250, %add3A_262 : i32
      %mul3A_264 = arith.constant 32 : i32
      %mul3A_265 = arith.muli %add3A_263, %mul3A_264 : i32
      %add3A_266 = arith.addi %add3A, %mul3A_265 : i32
      %mul3A_267 = arith.constant 128 : i32
      %mul3A_268 = arith.muli %add3A_266, %mul3A_267 : i32
      %dma_start3A_269 = tpu.memref_slice %arg2[%mul3A_268] : memref<352256xi32, #tpu.memory_space<hbm>> -> memref<128xi32, #tpu.memory_space<hbm>>
      %dma_start3A_270 = tpu.memref_slice %arg2[%mul3A_268] : memref<352256xi32, #tpu.memory_space<hbm>> -> memref<128xi32, #tpu.memory_space<hbm>>
      tpu.enqueue_dma source(%dma_start3A_270 : memref<128xi32, #tpu.memory_space<hbm>>) target(%arg11 : memref<128xi32, #tpu.memory_space<vmem>>) target_semaphore(%arg22 : memref<!tpu.dma_semaphore, #tpu.memory_space<semaphore_mem>>)
      %scan3A_271 = arith.constant 0 : i32
      scf.yield %scan3A_271 : i32
    }
    %scan3A_43 = arith.constant 10 : i32
    %dma_wait3A = arith.constant 0 : i32
    %dma_wait3A_44 = tpu.memref_slice %arg16[%dma_wait3A] : memref<10240xf32, #tpu.memory_space<vmem_shared>> -> memref<10240xf32, #tpu.memory_space<vmem_shared>>
    tpu.wait_indirect_dma semaphore(%arg31 : memref<!tpu.dma_semaphore, #tpu.memory_space<semaphore_mem>>) src(%arg14 : memref<128xf32, #tpu.memory_space<vmem>>) dst(%dma_wait3A_44 : memref<10240xf32, #tpu.memory_space<vmem_shared>>)
    %dma_wait3A_45 = arith.constant 0 : i32
    %dma_wait3A_46 = tpu.memref_slice %arg16[%dma_wait3A_45] : memref<10240xf32, #tpu.memory_space<vmem_shared>> -> memref<10240xf32, #tpu.memory_space<vmem_shared>>
    tpu.wait_indirect_dma semaphore(%arg32 : memref<!tpu.dma_semaphore, #tpu.memory_space<semaphore_mem>>) src(%arg14 : memref<128xf32, #tpu.memory_space<vmem>>) dst(%dma_wait3A_46 : memref<10240xf32, #tpu.memory_space<vmem_shared>>)
    %add3A_47 = arith.constant 2560 : i32
    %add3A_48 = arith.addi %add3A, %add3A_47 : i32
    %mul3A_49 = arith.constant 128 : i32
    %mul3A_50 = arith.muli %add3A_48, %mul3A_49 : i32
    %dma_wait3A_51 = tpu.memref_slice %arg2[%mul3A_50] : memref<352256xi32, #tpu.memory_space<hbm>> -> memref<128xi32, #tpu.memory_space<hbm>>
    %dma_wait3A_52 = tpu.memref_slice %arg2[%mul3A_50] : memref<352256xi32, #tpu.memory_space<hbm>> -> memref<128xi32, #tpu.memory_space<hbm>>
    tpu.wait_dma2 semaphore(%arg17 : memref<!tpu.dma_semaphore, #tpu.memory_space<semaphore_mem>>) src(%dma_wait3A_52 : memref<128xi32, #tpu.memory_space<hbm>>) dst(%arg6 : memref<128xi32, #tpu.memory_space<vmem>>)
    %add3A_53 = arith.constant 2592 : i32
    %add3A_54 = arith.addi %add3A, %add3A_53 : i32
    %mul3A_55 = arith.constant 128 : i32
    %mul3A_56 = arith.muli %add3A_54, %mul3A_55 : i32
    %dma_wait3A_57 = tpu.memref_slice %arg2[%mul3A_56] : memref<352256xi32, #tpu.memory_space<hbm>> -> memref<128xi32, #tpu.memory_space<hbm>>
    %dma_wait3A_58 = tpu.memref_slice %arg2[%mul3A_56] : memref<352256xi32, #tpu.memory_space<hbm>> -> memref<128xi32, #tpu.memory_space<hbm>>
    tpu.wait_dma2 semaphore(%arg18 : memref<!tpu.dma_semaphore, #tpu.memory_space<semaphore_mem>>) src(%dma_wait3A_58 : memref<128xi32, #tpu.memory_space<hbm>>) dst(%arg7 : memref<128xi32, #tpu.memory_space<vmem>>)
    %add3A_59 = arith.constant 2624 : i32
    %add3A_60 = arith.addi %add3A, %add3A_59 : i32
    %mul3A_61 = arith.constant 128 : i32
    %mul3A_62 = arith.muli %add3A_60, %mul3A_61 : i32
    %dma_wait3A_63 = tpu.memref_slice %arg2[%mul3A_62] : memref<352256xi32, #tpu.memory_space<hbm>> -> memref<128xi32, #tpu.memory_space<hbm>>
    %dma_wait3A_64 = tpu.memref_slice %arg2[%mul3A_62] : memref<352256xi32, #tpu.memory_space<hbm>> -> memref<128xi32, #tpu.memory_space<hbm>>
    tpu.wait_dma2 semaphore(%arg19 : memref<!tpu.dma_semaphore, #tpu.memory_space<semaphore_mem>>) src(%dma_wait3A_64 : memref<128xi32, #tpu.memory_space<hbm>>) dst(%arg8 : memref<128xi32, #tpu.memory_space<vmem>>)
    %add3A_65 = arith.constant 2656 : i32
    %add3A_66 = arith.addi %add3A, %add3A_65 : i32
    %mul3A_67 = arith.constant 128 : i32
    %mul3A_68 = arith.muli %add3A_66, %mul3A_67 : i32
    %dma_wait3A_69 = tpu.memref_slice %arg2[%mul3A_68] : memref<352256xi32, #tpu.memory_space<hbm>> -> memref<128xi32, #tpu.memory_space<hbm>>
    %dma_wait3A_70 = tpu.memref_slice %arg2[%mul3A_68] : memref<352256xi32, #tpu.memory_space<hbm>> -> memref<128xi32, #tpu.memory_space<hbm>>
    tpu.wait_dma2 semaphore(%arg20 : memref<!tpu.dma_semaphore, #tpu.memory_space<semaphore_mem>>) src(%dma_wait3A_70 : memref<128xi32, #tpu.memory_space<hbm>>) dst(%arg9 : memref<128xi32, #tpu.memory_space<vmem>>)
    %add3A_71 = arith.constant 2688 : i32
    %add3A_72 = arith.addi %add3A, %add3A_71 : i32
    %mul3A_73 = arith.constant 128 : i32
    %mul3A_74 = arith.muli %add3A_72, %mul3A_73 : i32
    %dma_wait3A_75 = tpu.memref_slice %arg2[%mul3A_74] : memref<352256xi32, #tpu.memory_space<hbm>> -> memref<128xi32, #tpu.memory_space<hbm>>
    %dma_wait3A_76 = tpu.memref_slice %arg2[%mul3A_74] : memref<352256xi32, #tpu.memory_space<hbm>> -> memref<128xi32, #tpu.memory_space<hbm>>
    tpu.wait_dma2 semaphore(%arg21 : memref<!tpu.dma_semaphore, #tpu.memory_space<semaphore_mem>>) src(%dma_wait3A_76 : memref<128xi32, #tpu.memory_space<hbm>>) dst(%arg10 : memref<128xi32, #tpu.memory_space<vmem>>)
    %add3A_77 = arith.constant 2720 : i32
    %add3A_78 = arith.addi %add3A, %add3A_77 : i32
    %mul3A_79 = arith.constant 128 : i32
    %mul3A_80 = arith.muli %add3A_78, %mul3A_79 : i32
    %dma_wait3A_81 = tpu.memref_slice %arg2[%mul3A_80] : memref<352256xi32, #tpu.memory_space<hbm>> -> memref<128xi32, #tpu.memory_space<hbm>>
    %dma_wait3A_82 = tpu.memref_slice %arg2[%mul3A_80] : memref<352256xi32, #tpu.memory_space<hbm>> -> memref<128xi32, #tpu.memory_space<hbm>>
    tpu.wait_dma2 semaphore(%arg22 : memref<!tpu.dma_semaphore, #tpu.memory_space<semaphore_mem>>) src(%dma_wait3A_82 : memref<128xi32, #tpu.memory_space<hbm>>) dst(%arg11 : memref<128xi32, #tpu.memory_space<vmem>>)
    %barrier3A_83 = arith.constant 0 : index
    tpu.barrier barrier_id(%barrier3A_83)
    %mul3A_84 = arith.constant 640 : i32
    %mul3A_85 = arith.muli %arg1, %mul3A_84 : i32
    "tpu.region"() ({
      %run_scoped3A = tpu.sem_alloc : memref<!tpu.dma_semaphore, #tpu.memory_space<semaphore_mem>>
      %dma_start3A_91 = tpu.memref_slice %arg16[%mul3A_85] : memref<10240xf32, #tpu.memory_space<vmem_shared>> -> memref<640xf32, #tpu.memory_space<vmem_shared>>
      %dma_start3A_92 = tpu.memref_slice %arg16[%mul3A_85] : memref<10240xf32, #tpu.memory_space<vmem_shared>> -> memref<640xf32, #tpu.memory_space<vmem_shared>>
      tpu.enqueue_dma source(%dma_start3A_92 : memref<640xf32, #tpu.memory_space<vmem_shared>>) target(%arg15 : memref<640xf32, #tpu.memory_space<vmem>>) target_semaphore(%run_scoped3A : memref<!tpu.dma_semaphore, #tpu.memory_space<semaphore_mem>>)
      %dma_wait3A_93 = tpu.memref_slice %arg16[%mul3A_85] : memref<10240xf32, #tpu.memory_space<vmem_shared>> -> memref<640xf32, #tpu.memory_space<vmem_shared>>
      %dma_wait3A_94 = tpu.memref_slice %arg16[%mul3A_85] : memref<10240xf32, #tpu.memory_space<vmem_shared>> -> memref<640xf32, #tpu.memory_space<vmem_shared>>
      tpu.wait_dma2 semaphore(%run_scoped3A : memref<!tpu.dma_semaphore, #tpu.memory_space<semaphore_mem>>) src(%dma_wait3A_94 : memref<640xf32, #tpu.memory_space<vmem_shared>>) dst(%arg15 : memref<640xf32, #tpu.memory_space<vmem>>)
      tpu.yield
    }) : () -> ()
    %mul3A_86 = arith.constant 10240 : i32
    %mul3A_87 = arith.muli %arg0, %mul3A_86 : i32
    %mul3A_88 = arith.constant 640 : i32
    %mul3A_89 = arith.muli %arg1, %mul3A_88 : i32
    %add3A_90 = arith.addi %mul3A_87, %mul3A_89 : i32
    "tpu.region"() ({
      %run_scoped3A = tpu.sem_alloc : memref<!tpu.dma_semaphore, #tpu.memory_space<semaphore_mem>>
      %dma_start3A_91 = tpu.memref_slice %arg5[%add3A_90] : memref<20480xf32, #tpu.memory_space<hbm>> -> memref<640xf32, #tpu.memory_space<hbm>>
      %dma_start3A_92 = tpu.memref_slice %arg5[%add3A_90] : memref<20480xf32, #tpu.memory_space<hbm>> -> memref<640xf32, #tpu.memory_space<hbm>>
      tpu.enqueue_dma source(%arg15 : memref<640xf32, #tpu.memory_space<vmem>>) target(%dma_start3A_92 : memref<640xf32, #tpu.memory_space<hbm>>) target_semaphore(%run_scoped3A : memref<!tpu.dma_semaphore, #tpu.memory_space<semaphore_mem>>)
      %dma_wait3A_93 = tpu.memref_slice %arg5[%add3A_90] : memref<20480xf32, #tpu.memory_space<hbm>> -> memref<640xf32, #tpu.memory_space<hbm>>
      %dma_wait3A_94 = tpu.memref_slice %arg5[%add3A_90] : memref<20480xf32, #tpu.memory_space<hbm>> -> memref<640xf32, #tpu.memory_space<hbm>>
      tpu.wait_dma2 semaphore(%run_scoped3A : memref<!tpu.dma_semaphore, #tpu.memory_space<semaphore_mem>>) src(%arg15 : memref<640xf32, #tpu.memory_space<vmem>>) dst(%dma_wait3A_94 : memref<640xf32, #tpu.memory_space<hbm>>)
      tpu.yield
    }) : () -> ()
    return
  }
}

#map = affine_map<(d0, d1) -> (0, 0)>
#map1 = affine_map<(d0, d1) -> (0)>
#map2 = affine_map<(d0, d1) -> (0, 0, 0)>
module attributes {stable_mosaic.version = 14 : i64} {
  func.func @_seg_kernel(%arg0: i32, %arg1: i32, %arg2: memref<10000x128xf32, #tpu.memory_space<hbm>>, %arg3: memref<352256xi32, #tpu.memory_space<hbm>>, %arg4: memref<352256xi32, #tpu.memory_space<hbm>>, %arg5: memref<128x128xf32, #tpu.memory_space<hbm>>, %arg6: memref<2x10240x128xf32, #tpu.memory_space<hbm>>, %arg7: memref<128xi32, #tpu.memory_space<vmem>>, %arg8: memref<128xi32, #tpu.memory_space<vmem>>, %arg9: memref<128xi32, #tpu.memory_space<vmem>>, %arg10: memref<128xi32, #tpu.memory_space<vmem>>, %arg11: memref<128x128xf32, #tpu.memory_space<vmem>>, %arg12: memref<128x128xf32, #tpu.memory_space<vmem>>, %arg13: memref<10240x128xf32, #tpu.memory_space<vmem_shared>>, %arg14: memref<!tpu.dma_semaphore, #tpu.memory_space<semaphore_mem>>, %arg15: memref<!tpu.dma_semaphore, #tpu.memory_space<semaphore_mem>>, %arg16: memref<!tpu.dma_semaphore, #tpu.memory_space<semaphore_mem>>, %arg17: memref<!tpu.dma_semaphore, #tpu.memory_space<semaphore_mem>>, %arg18: memref<!tpu.dma_semaphore, #tpu.memory_space<semaphore_mem>>, %arg19: memref<!tpu.dma_semaphore, #tpu.memory_space<semaphore_mem>>) attributes {dimension_semantics = [#tpu.dimension_semantics<core_parallel>, #tpu.dimension_semantics<subcore_parallel>], iteration_bounds = array<i64: 2, 16>, scalar_prefetch = 0 : i64, scratch_operands = 13 : i64, tpu.core_type = #tpu.core_type<sc_vector_subcore>, window_params = [{transform_indices = #map}, {transform_indices = #map1}, {transform_indices = #map1}, {transform_indices = #map}, {transform_indices = #map2}]} {
    %mul3A = arith.constant 16 : i32
    %mul3A_0 = arith.muli %arg0, %mul3A : i32
    %add3A = arith.addi %mul3A_0, %arg1 : i32
    "tpu.region"() ({
      %run_scoped3A = tpu.sem_alloc : memref<!tpu.dma_semaphore, #tpu.memory_space<semaphore_mem>>
      tpu.enqueue_dma source(%arg5 : memref<128x128xf32, #tpu.memory_space<hbm>>) target(%arg11 : memref<128x128xf32, #tpu.memory_space<vmem>>) target_semaphore(%run_scoped3A : memref<!tpu.dma_semaphore, #tpu.memory_space<semaphore_mem>>)
      tpu.wait_dma2 semaphore(%run_scoped3A : memref<!tpu.dma_semaphore, #tpu.memory_space<semaphore_mem>>) src(%arg5 : memref<128x128xf32, #tpu.memory_space<hbm>>) dst(%arg11 : memref<128x128xf32, #tpu.memory_space<vmem>>)
      tpu.yield
    }) : () -> ()
    %mul3A_1 = arith.constant 640 : i32
    %mul3A_2 = arith.muli %arg1, %mul3A_1 : i32
    %add3A_3 = arith.constant 0 : i32
    %add3A_4 = arith.addi %mul3A_2, %add3A_3 : i32
    "tpu.region"() ({
      %run_scoped3A = tpu.sem_alloc : memref<!tpu.dma_semaphore, #tpu.memory_space<semaphore_mem>>
      %dma_start3A_84 = arith.constant 0 : i32
      %dma_start3A_85 = tpu.memref_slice %arg13[%add3A_4, %dma_start3A_84] : memref<10240x128xf32, #tpu.memory_space<vmem_shared>> -> memref<128x128xf32, #tpu.memory_space<vmem_shared>>
      %dma_start3A_86 = arith.constant 0 : i32
      %dma_start3A_87 = tpu.memref_slice %arg13[%add3A_4, %dma_start3A_86] : memref<10240x128xf32, #tpu.memory_space<vmem_shared>> -> memref<128x128xf32, #tpu.memory_space<vmem_shared>>
      tpu.enqueue_dma source(%arg11 : memref<128x128xf32, #tpu.memory_space<vmem>>) target(%dma_start3A_87 : memref<128x128xf32, #tpu.memory_space<vmem_shared>>) target_semaphore(%run_scoped3A : memref<!tpu.dma_semaphore, #tpu.memory_space<semaphore_mem>>)
      %dma_wait3A_88 = arith.constant 0 : i32
      %dma_wait3A_89 = tpu.memref_slice %arg13[%add3A_4, %dma_wait3A_88] : memref<10240x128xf32, #tpu.memory_space<vmem_shared>> -> memref<128x128xf32, #tpu.memory_space<vmem_shared>>
      %dma_wait3A_90 = arith.constant 0 : i32
      %dma_wait3A_91 = tpu.memref_slice %arg13[%add3A_4, %dma_wait3A_90] : memref<10240x128xf32, #tpu.memory_space<vmem_shared>> -> memref<128x128xf32, #tpu.memory_space<vmem_shared>>
      tpu.wait_dma2 semaphore(%run_scoped3A : memref<!tpu.dma_semaphore, #tpu.memory_space<semaphore_mem>>) src(%arg11 : memref<128x128xf32, #tpu.memory_space<vmem>>) dst(%dma_wait3A_91 : memref<128x128xf32, #tpu.memory_space<vmem_shared>>)
      tpu.yield
    }) : () -> ()
    %mul3A_5 = arith.constant 640 : i32
    %mul3A_6 = arith.muli %arg1, %mul3A_5 : i32
    %add3A_7 = arith.constant 128 : i32
    %add3A_8 = arith.addi %mul3A_6, %add3A_7 : i32
    "tpu.region"() ({
      %run_scoped3A = tpu.sem_alloc : memref<!tpu.dma_semaphore, #tpu.memory_space<semaphore_mem>>
      %dma_start3A_84 = arith.constant 0 : i32
      %dma_start3A_85 = tpu.memref_slice %arg13[%add3A_8, %dma_start3A_84] : memref<10240x128xf32, #tpu.memory_space<vmem_shared>> -> memref<128x128xf32, #tpu.memory_space<vmem_shared>>
      %dma_start3A_86 = arith.constant 0 : i32
      %dma_start3A_87 = tpu.memref_slice %arg13[%add3A_8, %dma_start3A_86] : memref<10240x128xf32, #tpu.memory_space<vmem_shared>> -> memref<128x128xf32, #tpu.memory_space<vmem_shared>>
      tpu.enqueue_dma source(%arg11 : memref<128x128xf32, #tpu.memory_space<vmem>>) target(%dma_start3A_87 : memref<128x128xf32, #tpu.memory_space<vmem_shared>>) target_semaphore(%run_scoped3A : memref<!tpu.dma_semaphore, #tpu.memory_space<semaphore_mem>>)
      %dma_wait3A_88 = arith.constant 0 : i32
      %dma_wait3A_89 = tpu.memref_slice %arg13[%add3A_8, %dma_wait3A_88] : memref<10240x128xf32, #tpu.memory_space<vmem_shared>> -> memref<128x128xf32, #tpu.memory_space<vmem_shared>>
      %dma_wait3A_90 = arith.constant 0 : i32
      %dma_wait3A_91 = tpu.memref_slice %arg13[%add3A_8, %dma_wait3A_90] : memref<10240x128xf32, #tpu.memory_space<vmem_shared>> -> memref<128x128xf32, #tpu.memory_space<vmem_shared>>
      tpu.wait_dma2 semaphore(%run_scoped3A : memref<!tpu.dma_semaphore, #tpu.memory_space<semaphore_mem>>) src(%arg11 : memref<128x128xf32, #tpu.memory_space<vmem>>) dst(%dma_wait3A_91 : memref<128x128xf32, #tpu.memory_space<vmem_shared>>)
      tpu.yield
    }) : () -> ()
    %mul3A_9 = arith.constant 640 : i32
    %mul3A_10 = arith.muli %arg1, %mul3A_9 : i32
    %add3A_11 = arith.constant 256 : i32
    %add3A_12 = arith.addi %mul3A_10, %add3A_11 : i32
    "tpu.region"() ({
      %run_scoped3A = tpu.sem_alloc : memref<!tpu.dma_semaphore, #tpu.memory_space<semaphore_mem>>
      %dma_start3A_84 = arith.constant 0 : i32
      %dma_start3A_85 = tpu.memref_slice %arg13[%add3A_12, %dma_start3A_84] : memref<10240x128xf32, #tpu.memory_space<vmem_shared>> -> memref<128x128xf32, #tpu.memory_space<vmem_shared>>
      %dma_start3A_86 = arith.constant 0 : i32
      %dma_start3A_87 = tpu.memref_slice %arg13[%add3A_12, %dma_start3A_86] : memref<10240x128xf32, #tpu.memory_space<vmem_shared>> -> memref<128x128xf32, #tpu.memory_space<vmem_shared>>
      tpu.enqueue_dma source(%arg11 : memref<128x128xf32, #tpu.memory_space<vmem>>) target(%dma_start3A_87 : memref<128x128xf32, #tpu.memory_space<vmem_shared>>) target_semaphore(%run_scoped3A : memref<!tpu.dma_semaphore, #tpu.memory_space<semaphore_mem>>)
      %dma_wait3A_88 = arith.constant 0 : i32
      %dma_wait3A_89 = tpu.memref_slice %arg13[%add3A_12, %dma_wait3A_88] : memref<10240x128xf32, #tpu.memory_space<vmem_shared>> -> memref<128x128xf32, #tpu.memory_space<vmem_shared>>
      %dma_wait3A_90 = arith.constant 0 : i32
      %dma_wait3A_91 = tpu.memref_slice %arg13[%add3A_12, %dma_wait3A_90] : memref<10240x128xf32, #tpu.memory_space<vmem_shared>> -> memref<128x128xf32, #tpu.memory_space<vmem_shared>>
      tpu.wait_dma2 semaphore(%run_scoped3A : memref<!tpu.dma_semaphore, #tpu.memory_space<semaphore_mem>>) src(%arg11 : memref<128x128xf32, #tpu.memory_space<vmem>>) dst(%dma_wait3A_91 : memref<128x128xf32, #tpu.memory_space<vmem_shared>>)
      tpu.yield
    }) : () -> ()
    %mul3A_13 = arith.constant 640 : i32
    %mul3A_14 = arith.muli %arg1, %mul3A_13 : i32
    %add3A_15 = arith.constant 384 : i32
    %add3A_16 = arith.addi %mul3A_14, %add3A_15 : i32
    "tpu.region"() ({
      %run_scoped3A = tpu.sem_alloc : memref<!tpu.dma_semaphore, #tpu.memory_space<semaphore_mem>>
      %dma_start3A_84 = arith.constant 0 : i32
      %dma_start3A_85 = tpu.memref_slice %arg13[%add3A_16, %dma_start3A_84] : memref<10240x128xf32, #tpu.memory_space<vmem_shared>> -> memref<128x128xf32, #tpu.memory_space<vmem_shared>>
      %dma_start3A_86 = arith.constant 0 : i32
      %dma_start3A_87 = tpu.memref_slice %arg13[%add3A_16, %dma_start3A_86] : memref<10240x128xf32, #tpu.memory_space<vmem_shared>> -> memref<128x128xf32, #tpu.memory_space<vmem_shared>>
      tpu.enqueue_dma source(%arg11 : memref<128x128xf32, #tpu.memory_space<vmem>>) target(%dma_start3A_87 : memref<128x128xf32, #tpu.memory_space<vmem_shared>>) target_semaphore(%run_scoped3A : memref<!tpu.dma_semaphore, #tpu.memory_space<semaphore_mem>>)
      %dma_wait3A_88 = arith.constant 0 : i32
      %dma_wait3A_89 = tpu.memref_slice %arg13[%add3A_16, %dma_wait3A_88] : memref<10240x128xf32, #tpu.memory_space<vmem_shared>> -> memref<128x128xf32, #tpu.memory_space<vmem_shared>>
      %dma_wait3A_90 = arith.constant 0 : i32
      %dma_wait3A_91 = tpu.memref_slice %arg13[%add3A_16, %dma_wait3A_90] : memref<10240x128xf32, #tpu.memory_space<vmem_shared>> -> memref<128x128xf32, #tpu.memory_space<vmem_shared>>
      tpu.wait_dma2 semaphore(%run_scoped3A : memref<!tpu.dma_semaphore, #tpu.memory_space<semaphore_mem>>) src(%arg11 : memref<128x128xf32, #tpu.memory_space<vmem>>) dst(%dma_wait3A_91 : memref<128x128xf32, #tpu.memory_space<vmem_shared>>)
      tpu.yield
    }) : () -> ()
    %mul3A_17 = arith.constant 640 : i32
    %mul3A_18 = arith.muli %arg1, %mul3A_17 : i32
    %add3A_19 = arith.constant 512 : i32
    %add3A_20 = arith.addi %mul3A_18, %add3A_19 : i32
    "tpu.region"() ({
      %run_scoped3A = tpu.sem_alloc : memref<!tpu.dma_semaphore, #tpu.memory_space<semaphore_mem>>
      %dma_start3A_84 = arith.constant 0 : i32
      %dma_start3A_85 = tpu.memref_slice %arg13[%add3A_20, %dma_start3A_84] : memref<10240x128xf32, #tpu.memory_space<vmem_shared>> -> memref<128x128xf32, #tpu.memory_space<vmem_shared>>
      %dma_start3A_86 = arith.constant 0 : i32
      %dma_start3A_87 = tpu.memref_slice %arg13[%add3A_20, %dma_start3A_86] : memref<10240x128xf32, #tpu.memory_space<vmem_shared>> -> memref<128x128xf32, #tpu.memory_space<vmem_shared>>
      tpu.enqueue_dma source(%arg11 : memref<128x128xf32, #tpu.memory_space<vmem>>) target(%dma_start3A_87 : memref<128x128xf32, #tpu.memory_space<vmem_shared>>) target_semaphore(%run_scoped3A : memref<!tpu.dma_semaphore, #tpu.memory_space<semaphore_mem>>)
      %dma_wait3A_88 = arith.constant 0 : i32
      %dma_wait3A_89 = tpu.memref_slice %arg13[%add3A_20, %dma_wait3A_88] : memref<10240x128xf32, #tpu.memory_space<vmem_shared>> -> memref<128x128xf32, #tpu.memory_space<vmem_shared>>
      %dma_wait3A_90 = arith.constant 0 : i32
      %dma_wait3A_91 = tpu.memref_slice %arg13[%add3A_20, %dma_wait3A_90] : memref<10240x128xf32, #tpu.memory_space<vmem_shared>> -> memref<128x128xf32, #tpu.memory_space<vmem_shared>>
      tpu.wait_dma2 semaphore(%run_scoped3A : memref<!tpu.dma_semaphore, #tpu.memory_space<semaphore_mem>>) src(%arg11 : memref<128x128xf32, #tpu.memory_space<vmem>>) dst(%dma_wait3A_91 : memref<128x128xf32, #tpu.memory_space<vmem_shared>>)
      tpu.yield
    }) : () -> ()
    %barrier3A = arith.constant 0 : index
    tpu.barrier barrier_id(%barrier3A)
    %add3A_21 = arith.constant 0 : i32
    %add3A_22 = arith.addi %add3A, %add3A_21 : i32
    %mul3A_23 = arith.constant 128 : i32
    %mul3A_24 = arith.muli %add3A_22, %mul3A_23 : i32
    %dma_start3A = tpu.memref_slice %arg3[%mul3A_24] : memref<352256xi32, #tpu.memory_space<hbm>> -> memref<128xi32, #tpu.memory_space<hbm>>
    %dma_start3A_25 = tpu.memref_slice %arg3[%mul3A_24] : memref<352256xi32, #tpu.memory_space<hbm>> -> memref<128xi32, #tpu.memory_space<hbm>>
    tpu.enqueue_dma source(%dma_start3A_25 : memref<128xi32, #tpu.memory_space<hbm>>) target(%arg7 : memref<128xi32, #tpu.memory_space<vmem>>) target_semaphore(%arg14 : memref<!tpu.dma_semaphore, #tpu.memory_space<semaphore_mem>>)
    %add3A_26 = arith.constant 0 : i32
    %add3A_27 = arith.addi %add3A, %add3A_26 : i32
    %mul3A_28 = arith.constant 128 : i32
    %mul3A_29 = arith.muli %add3A_27, %mul3A_28 : i32
    %dma_start3A_30 = tpu.memref_slice %arg4[%mul3A_29] : memref<352256xi32, #tpu.memory_space<hbm>> -> memref<128xi32, #tpu.memory_space<hbm>>
    %dma_start3A_31 = tpu.memref_slice %arg4[%mul3A_29] : memref<352256xi32, #tpu.memory_space<hbm>> -> memref<128xi32, #tpu.memory_space<hbm>>
    tpu.enqueue_dma source(%dma_start3A_31 : memref<128xi32, #tpu.memory_space<hbm>>) target(%arg9 : memref<128xi32, #tpu.memory_space<vmem>>) target_semaphore(%arg16 : memref<!tpu.dma_semaphore, #tpu.memory_space<semaphore_mem>>)
    %add3A_32 = arith.constant 0 : i32
    %add3A_33 = arith.addi %add3A, %add3A_32 : i32
    %mul3A_34 = arith.constant 128 : i32
    %mul3A_35 = arith.muli %add3A_33, %mul3A_34 : i32
    %dma_wait3A = tpu.memref_slice %arg3[%mul3A_35] : memref<352256xi32, #tpu.memory_space<hbm>> -> memref<128xi32, #tpu.memory_space<hbm>>
    %dma_wait3A_36 = tpu.memref_slice %arg3[%mul3A_35] : memref<352256xi32, #tpu.memory_space<hbm>> -> memref<128xi32, #tpu.memory_space<hbm>>
    tpu.wait_dma2 semaphore(%arg14 : memref<!tpu.dma_semaphore, #tpu.memory_space<semaphore_mem>>) src(%dma_wait3A_36 : memref<128xi32, #tpu.memory_space<hbm>>) dst(%arg7 : memref<128xi32, #tpu.memory_space<vmem>>)
    %dma_start3A_37 = arith.constant 0 : i32
    %dma_start3A_38 = arith.constant 0 : i32
    %dma_start3A_39 = tpu.memref_slice %arg2[%dma_start3A_37, %dma_start3A_38] : memref<10000x128xf32, #tpu.memory_space<hbm>> -> memref<10000x128xf32, #tpu.memory_space<hbm>>
    tpu.enqueue_indirect_dma source(%dma_start3A_39 : memref<10000x128xf32, #tpu.memory_space<hbm>>) target(%arg11 : memref<128x128xf32, #tpu.memory_space<vmem>>) offsets(%arg7 : memref<128xi32, #tpu.memory_space<vmem>>) semaphore(%arg18 : memref<!tpu.dma_semaphore, #tpu.memory_space<semaphore_mem>>)
    %add3A_40 = arith.constant 32 : i32
    %add3A_41 = arith.addi %add3A, %add3A_40 : i32
    %mul3A_42 = arith.constant 128 : i32
    %mul3A_43 = arith.muli %add3A_41, %mul3A_42 : i32
    %dma_start3A_44 = tpu.memref_slice %arg3[%mul3A_43] : memref<352256xi32, #tpu.memory_space<hbm>> -> memref<128xi32, #tpu.memory_space<hbm>>
    %dma_start3A_45 = tpu.memref_slice %arg3[%mul3A_43] : memref<352256xi32, #tpu.memory_space<hbm>> -> memref<128xi32, #tpu.memory_space<hbm>>
    tpu.enqueue_dma source(%dma_start3A_45 : memref<128xi32, #tpu.memory_space<hbm>>) target(%arg8 : memref<128xi32, #tpu.memory_space<vmem>>) target_semaphore(%arg15 : memref<!tpu.dma_semaphore, #tpu.memory_space<semaphore_mem>>)
    %add3A_46 = arith.constant 32 : i32
    %add3A_47 = arith.addi %add3A, %add3A_46 : i32
    %mul3A_48 = arith.constant 128 : i32
    %mul3A_49 = arith.muli %add3A_47, %mul3A_48 : i32
    %dma_start3A_50 = tpu.memref_slice %arg4[%mul3A_49] : memref<352256xi32, #tpu.memory_space<hbm>> -> memref<128xi32, #tpu.memory_space<hbm>>
    %dma_start3A_51 = tpu.memref_slice %arg4[%mul3A_49] : memref<352256xi32, #tpu.memory_space<hbm>> -> memref<128xi32, #tpu.memory_space<hbm>>
    tpu.enqueue_dma source(%dma_start3A_51 : memref<128xi32, #tpu.memory_space<hbm>>) target(%arg10 : memref<128xi32, #tpu.memory_space<vmem>>) target_semaphore(%arg17 : memref<!tpu.dma_semaphore, #tpu.memory_space<semaphore_mem>>)
    %scan3A = arith.constant 0 : i32
    %scan3A_52 = arith.constant 0 : i32
    %scan3A_53 = arith.constant 40 : i32
    %scan3A_54 = arith.addi %scan3A_52, %scan3A_53 : i32
    %scan3A_55 = arith.constant 1 : i32
    %scan3A_56 = scf.for %scan3A_84 = %scan3A_52 to %scan3A_54 step %scan3A_55 iter_args(%scan3A_85 = %scan3A) -> (i32)  : i32 {
      %mul3A_86 = arith.constant 2 : i32
      %mul3A_87 = arith.muli %scan3A_84, %mul3A_86 : i32
      %add3A_88 = arith.constant 0 : i32
      %add3A_89 = arith.addi %mul3A_87, %add3A_88 : i32
      %add3A_90 = arith.constant 1 : i32
      %add3A_91 = arith.addi %add3A_89, %add3A_90 : i32
      %mul3A_92 = arith.constant 32 : i32
      %mul3A_93 = arith.muli %add3A_91, %mul3A_92 : i32
      %add3A_94 = arith.addi %add3A, %mul3A_93 : i32
      %mul3A_95 = arith.constant 128 : i32
      %mul3A_96 = arith.muli %add3A_94, %mul3A_95 : i32
      %dma_wait3A_97 = tpu.memref_slice %arg3[%mul3A_96] : memref<352256xi32, #tpu.memory_space<hbm>> -> memref<128xi32, #tpu.memory_space<hbm>>
      %dma_wait3A_98 = tpu.memref_slice %arg3[%mul3A_96] : memref<352256xi32, #tpu.memory_space<hbm>> -> memref<128xi32, #tpu.memory_space<hbm>>
      tpu.wait_dma2 semaphore(%arg15 : memref<!tpu.dma_semaphore, #tpu.memory_space<semaphore_mem>>) src(%dma_wait3A_98 : memref<128xi32, #tpu.memory_space<hbm>>) dst(%arg8 : memref<128xi32, #tpu.memory_space<vmem>>)
      %dma_start3A_99 = arith.constant 0 : i32
      %dma_start3A_100 = arith.constant 0 : i32
      %dma_start3A_101 = tpu.memref_slice %arg2[%dma_start3A_99, %dma_start3A_100] : memref<10000x128xf32, #tpu.memory_space<hbm>> -> memref<10000x128xf32, #tpu.memory_space<hbm>>
      tpu.enqueue_indirect_dma source(%dma_start3A_101 : memref<10000x128xf32, #tpu.memory_space<hbm>>) target(%arg12 : memref<128x128xf32, #tpu.memory_space<vmem>>) offsets(%arg8 : memref<128xi32, #tpu.memory_space<vmem>>) semaphore(%arg19 : memref<!tpu.dma_semaphore, #tpu.memory_space<semaphore_mem>>)
      %dma_wait3A_102 = arith.constant 0 : i32
      %dma_wait3A_103 = arith.constant 0 : i32
      %dma_wait3A_104 = tpu.memref_slice %arg2[%dma_wait3A_102, %dma_wait3A_103] : memref<10000x128xf32, #tpu.memory_space<hbm>> -> memref<10000x128xf32, #tpu.memory_space<hbm>>
      tpu.wait_indirect_dma semaphore(%arg18 : memref<!tpu.dma_semaphore, #tpu.memory_space<semaphore_mem>>) src(%dma_wait3A_104 : memref<10000x128xf32, #tpu.memory_space<hbm>>) dst(%arg11 : memref<128x128xf32, #tpu.memory_space<vmem>>)
      %add3A_105 = arith.constant 2 : i32
      %add3A_106 = arith.addi %add3A_89, %add3A_105 : i32
      %mul3A_107 = arith.constant 32 : i32
      %mul3A_108 = arith.muli %add3A_106, %mul3A_107 : i32
      %add3A_109 = arith.addi %add3A, %mul3A_108 : i32
      %mul3A_110 = arith.constant 128 : i32
      %mul3A_111 = arith.muli %add3A_109, %mul3A_110 : i32
      %dma_start3A_112 = tpu.memref_slice %arg3[%mul3A_111] : memref<352256xi32, #tpu.memory_space<hbm>> -> memref<128xi32, #tpu.memory_space<hbm>>
      %dma_start3A_113 = tpu.memref_slice %arg3[%mul3A_111] : memref<352256xi32, #tpu.memory_space<hbm>> -> memref<128xi32, #tpu.memory_space<hbm>>
      tpu.enqueue_dma source(%dma_start3A_113 : memref<128xi32, #tpu.memory_space<hbm>>) target(%arg7 : memref<128xi32, #tpu.memory_space<vmem>>) target_semaphore(%arg14 : memref<!tpu.dma_semaphore, #tpu.memory_space<semaphore_mem>>)
      %mul3A_114 = arith.constant 32 : i32
      %mul3A_115 = arith.muli %add3A_89, %mul3A_114 : i32
      %add3A_116 = arith.addi %add3A, %mul3A_115 : i32
      %mul3A_117 = arith.constant 128 : i32
      %mul3A_118 = arith.muli %add3A_116, %mul3A_117 : i32
      %dma_wait3A_119 = tpu.memref_slice %arg4[%mul3A_118] : memref<352256xi32, #tpu.memory_space<hbm>> -> memref<128xi32, #tpu.memory_space<hbm>>
      %dma_wait3A_120 = tpu.memref_slice %arg4[%mul3A_118] : memref<352256xi32, #tpu.memory_space<hbm>> -> memref<128xi32, #tpu.memory_space<hbm>>
      tpu.wait_dma2 semaphore(%arg16 : memref<!tpu.dma_semaphore, #tpu.memory_space<semaphore_mem>>) src(%dma_wait3A_120 : memref<128xi32, #tpu.memory_space<hbm>>) dst(%arg9 : memref<128xi32, #tpu.memory_space<vmem>>)
      "tpu.region"() ({
        %run_scoped3A = tpu.sem_alloc : memref<!tpu.dma_semaphore, #tpu.memory_space<semaphore_mem>>
        %dma_start3A_173 = arith.constant 0 : i32
        %dma_start3A_174 = arith.constant 0 : i32
        %dma_start3A_175 = tpu.memref_slice %arg13[%dma_start3A_173, %dma_start3A_174] : memref<10240x128xf32, #tpu.memory_space<vmem_shared>> -> memref<10240x128xf32, #tpu.memory_space<vmem_shared>>
        tpu.enqueue_indirect_dma source(%arg11 : memref<128x128xf32, #tpu.memory_space<vmem>>) target(%dma_start3A_175 : memref<10240x128xf32, #tpu.memory_space<vmem_shared>>) offsets(%arg9 : memref<128xi32, #tpu.memory_space<vmem>>) semaphore(%run_scoped3A : memref<!tpu.dma_semaphore, #tpu.memory_space<semaphore_mem>>) {add = true}
        %dma_wait3A_176 = arith.constant 0 : i32
        %dma_wait3A_177 = arith.constant 0 : i32
        %dma_wait3A_178 = tpu.memref_slice %arg13[%dma_wait3A_176, %dma_wait3A_177] : memref<10240x128xf32, #tpu.memory_space<vmem_shared>> -> memref<10240x128xf32, #tpu.memory_space<vmem_shared>>
        tpu.wait_indirect_dma semaphore(%run_scoped3A : memref<!tpu.dma_semaphore, #tpu.memory_space<semaphore_mem>>) src(%arg11 : memref<128x128xf32, #tpu.memory_space<vmem>>) dst(%dma_wait3A_178 : memref<10240x128xf32, #tpu.memory_space<vmem_shared>>)
        tpu.yield
      }) : () -> ()
      %add3A_121 = arith.constant 2 : i32
      %add3A_122 = arith.addi %add3A_89, %add3A_121 : i32
      %mul3A_123 = arith.constant 32 : i32
      %mul3A_124 = arith.muli %add3A_122, %mul3A_123 : i32
      %add3A_125 = arith.addi %add3A, %mul3A_124 : i32
      %mul3A_126 = arith.constant 128 : i32
      %mul3A_127 = arith.muli %add3A_125, %mul3A_126 : i32
      %dma_start3A_128 = tpu.memref_slice %arg4[%mul3A_127] : memref<352256xi32, #tpu.memory_space<hbm>> -> memref<128xi32, #tpu.memory_space<hbm>>
      %dma_start3A_129 = tpu.memref_slice %arg4[%mul3A_127] : memref<352256xi32, #tpu.memory_space<hbm>> -> memref<128xi32, #tpu.memory_space<hbm>>
      tpu.enqueue_dma source(%dma_start3A_129 : memref<128xi32, #tpu.memory_space<hbm>>) target(%arg9 : memref<128xi32, #tpu.memory_space<vmem>>) target_semaphore(%arg16 : memref<!tpu.dma_semaphore, #tpu.memory_space<semaphore_mem>>)
      %add3A_130 = arith.constant 1 : i32
      %add3A_131 = arith.addi %mul3A_87, %add3A_130 : i32
      %add3A_132 = arith.constant 1 : i32
      %add3A_133 = arith.addi %add3A_131, %add3A_132 : i32
      %mul3A_134 = arith.constant 32 : i32
      %mul3A_135 = arith.muli %add3A_133, %mul3A_134 : i32
      %add3A_136 = arith.addi %add3A, %mul3A_135 : i32
      %mul3A_137 = arith.constant 128 : i32
      %mul3A_138 = arith.muli %add3A_136, %mul3A_137 : i32
      %dma_wait3A_139 = tpu.memref_slice %arg3[%mul3A_138] : memref<352256xi32, #tpu.memory_space<hbm>> -> memref<128xi32, #tpu.memory_space<hbm>>
      %dma_wait3A_140 = tpu.memref_slice %arg3[%mul3A_138] : memref<352256xi32, #tpu.memory_space<hbm>> -> memref<128xi32, #tpu.memory_space<hbm>>
      tpu.wait_dma2 semaphore(%arg14 : memref<!tpu.dma_semaphore, #tpu.memory_space<semaphore_mem>>) src(%dma_wait3A_140 : memref<128xi32, #tpu.memory_space<hbm>>) dst(%arg7 : memref<128xi32, #tpu.memory_space<vmem>>)
      %dma_start3A_141 = arith.constant 0 : i32
      %dma_start3A_142 = arith.constant 0 : i32
      %dma_start3A_143 = tpu.memref_slice %arg2[%dma_start3A_141, %dma_start3A_142] : memref<10000x128xf32, #tpu.memory_space<hbm>> -> memref<10000x128xf32, #tpu.memory_space<hbm>>
      tpu.enqueue_indirect_dma source(%dma_start3A_143 : memref<10000x128xf32, #tpu.memory_space<hbm>>) target(%arg11 : memref<128x128xf32, #tpu.memory_space<vmem>>) offsets(%arg7 : memref<128xi32, #tpu.memory_space<vmem>>) semaphore(%arg18 : memref<!tpu.dma_semaphore, #tpu.memory_space<semaphore_mem>>)
      %dma_wait3A_144 = arith.constant 0 : i32
      %dma_wait3A_145 = arith.constant 0 : i32
      %dma_wait3A_146 = tpu.memref_slice %arg2[%dma_wait3A_144, %dma_wait3A_145] : memref<10000x128xf32, #tpu.memory_space<hbm>> -> memref<10000x128xf32, #tpu.memory_space<hbm>>
      tpu.wait_indirect_dma semaphore(%arg19 : memref<!tpu.dma_semaphore, #tpu.memory_space<semaphore_mem>>) src(%dma_wait3A_146 : memref<10000x128xf32, #tpu.memory_space<hbm>>) dst(%arg12 : memref<128x128xf32, #tpu.memory_space<vmem>>)
      %add3A_147 = arith.constant 2 : i32
      %add3A_148 = arith.addi %add3A_131, %add3A_147 : i32
      %mul3A_149 = arith.constant 32 : i32
      %mul3A_150 = arith.muli %add3A_148, %mul3A_149 : i32
      %add3A_151 = arith.addi %add3A, %mul3A_150 : i32
      %mul3A_152 = arith.constant 128 : i32
      %mul3A_153 = arith.muli %add3A_151, %mul3A_152 : i32
      %dma_start3A_154 = tpu.memref_slice %arg3[%mul3A_153] : memref<352256xi32, #tpu.memory_space<hbm>> -> memref<128xi32, #tpu.memory_space<hbm>>
      %dma_start3A_155 = tpu.memref_slice %arg3[%mul3A_153] : memref<352256xi32, #tpu.memory_space<hbm>> -> memref<128xi32, #tpu.memory_space<hbm>>
      tpu.enqueue_dma source(%dma_start3A_155 : memref<128xi32, #tpu.memory_space<hbm>>) target(%arg8 : memref<128xi32, #tpu.memory_space<vmem>>) target_semaphore(%arg15 : memref<!tpu.dma_semaphore, #tpu.memory_space<semaphore_mem>>)
      %mul3A_156 = arith.constant 32 : i32
      %mul3A_157 = arith.muli %add3A_131, %mul3A_156 : i32
      %add3A_158 = arith.addi %add3A, %mul3A_157 : i32
      %mul3A_159 = arith.constant 128 : i32
      %mul3A_160 = arith.muli %add3A_158, %mul3A_159 : i32
      %dma_wait3A_161 = tpu.memref_slice %arg4[%mul3A_160] : memref<352256xi32, #tpu.memory_space<hbm>> -> memref<128xi32, #tpu.memory_space<hbm>>
      %dma_wait3A_162 = tpu.memref_slice %arg4[%mul3A_160] : memref<352256xi32, #tpu.memory_space<hbm>> -> memref<128xi32, #tpu.memory_space<hbm>>
      tpu.wait_dma2 semaphore(%arg17 : memref<!tpu.dma_semaphore, #tpu.memory_space<semaphore_mem>>) src(%dma_wait3A_162 : memref<128xi32, #tpu.memory_space<hbm>>) dst(%arg10 : memref<128xi32, #tpu.memory_space<vmem>>)
      "tpu.region"() ({
        %run_scoped3A = tpu.sem_alloc : memref<!tpu.dma_semaphore, #tpu.memory_space<semaphore_mem>>
        %dma_start3A_173 = arith.constant 0 : i32
        %dma_start3A_174 = arith.constant 0 : i32
        %dma_start3A_175 = tpu.memref_slice %arg13[%dma_start3A_173, %dma_start3A_174] : memref<10240x128xf32, #tpu.memory_space<vmem_shared>> -> memref<10240x128xf32, #tpu.memory_space<vmem_shared>>
        tpu.enqueue_indirect_dma source(%arg12 : memref<128x128xf32, #tpu.memory_space<vmem>>) target(%dma_start3A_175 : memref<10240x128xf32, #tpu.memory_space<vmem_shared>>) offsets(%arg10 : memref<128xi32, #tpu.memory_space<vmem>>) semaphore(%run_scoped3A : memref<!tpu.dma_semaphore, #tpu.memory_space<semaphore_mem>>) {add = true}
        %dma_wait3A_176 = arith.constant 0 : i32
        %dma_wait3A_177 = arith.constant 0 : i32
        %dma_wait3A_178 = tpu.memref_slice %arg13[%dma_wait3A_176, %dma_wait3A_177] : memref<10240x128xf32, #tpu.memory_space<vmem_shared>> -> memref<10240x128xf32, #tpu.memory_space<vmem_shared>>
        tpu.wait_indirect_dma semaphore(%run_scoped3A : memref<!tpu.dma_semaphore, #tpu.memory_space<semaphore_mem>>) src(%arg12 : memref<128x128xf32, #tpu.memory_space<vmem>>) dst(%dma_wait3A_178 : memref<10240x128xf32, #tpu.memory_space<vmem_shared>>)
        tpu.yield
      }) : () -> ()
      %add3A_163 = arith.constant 2 : i32
      %add3A_164 = arith.addi %add3A_131, %add3A_163 : i32
      %mul3A_165 = arith.constant 32 : i32
      %mul3A_166 = arith.muli %add3A_164, %mul3A_165 : i32
      %add3A_167 = arith.addi %add3A, %mul3A_166 : i32
      %mul3A_168 = arith.constant 128 : i32
      %mul3A_169 = arith.muli %add3A_167, %mul3A_168 : i32
      %dma_start3A_170 = tpu.memref_slice %arg4[%mul3A_169] : memref<352256xi32, #tpu.memory_space<hbm>> -> memref<128xi32, #tpu.memory_space<hbm>>
      %dma_start3A_171 = tpu.memref_slice %arg4[%mul3A_169] : memref<352256xi32, #tpu.memory_space<hbm>> -> memref<128xi32, #tpu.memory_space<hbm>>
      tpu.enqueue_dma source(%dma_start3A_171 : memref<128xi32, #tpu.memory_space<hbm>>) target(%arg10 : memref<128xi32, #tpu.memory_space<vmem>>) target_semaphore(%arg17 : memref<!tpu.dma_semaphore, #tpu.memory_space<semaphore_mem>>)
      %scan3A_172 = arith.constant 0 : i32
      scf.yield %scan3A_172 : i32
    }
    %scan3A_57 = arith.constant 40 : i32
    %add3A_58 = arith.constant 2592 : i32
    %add3A_59 = arith.addi %add3A, %add3A_58 : i32
    %mul3A_60 = arith.constant 128 : i32
    %mul3A_61 = arith.muli %add3A_59, %mul3A_60 : i32
    %dma_wait3A_62 = tpu.memref_slice %arg3[%mul3A_61] : memref<352256xi32, #tpu.memory_space<hbm>> -> memref<128xi32, #tpu.memory_space<hbm>>
    %dma_wait3A_63 = tpu.memref_slice %arg3[%mul3A_61] : memref<352256xi32, #tpu.memory_space<hbm>> -> memref<128xi32, #tpu.memory_space<hbm>>
    tpu.wait_dma2 semaphore(%arg15 : memref<!tpu.dma_semaphore, #tpu.memory_space<semaphore_mem>>) src(%dma_wait3A_63 : memref<128xi32, #tpu.memory_space<hbm>>) dst(%arg8 : memref<128xi32, #tpu.memory_space<vmem>>)
    %add3A_64 = arith.constant 2592 : i32
    %add3A_65 = arith.addi %add3A, %add3A_64 : i32
    %mul3A_66 = arith.constant 128 : i32
    %mul3A_67 = arith.muli %add3A_65, %mul3A_66 : i32
    %dma_wait3A_68 = tpu.memref_slice %arg4[%mul3A_67] : memref<352256xi32, #tpu.memory_space<hbm>> -> memref<128xi32, #tpu.memory_space<hbm>>
    %dma_wait3A_69 = tpu.memref_slice %arg4[%mul3A_67] : memref<352256xi32, #tpu.memory_space<hbm>> -> memref<128xi32, #tpu.memory_space<hbm>>
    tpu.wait_dma2 semaphore(%arg17 : memref<!tpu.dma_semaphore, #tpu.memory_space<semaphore_mem>>) src(%dma_wait3A_69 : memref<128xi32, #tpu.memory_space<hbm>>) dst(%arg10 : memref<128xi32, #tpu.memory_space<vmem>>)
    %dma_wait3A_70 = arith.constant 0 : i32
    %dma_wait3A_71 = arith.constant 0 : i32
    %dma_wait3A_72 = tpu.memref_slice %arg2[%dma_wait3A_70, %dma_wait3A_71] : memref<10000x128xf32, #tpu.memory_space<hbm>> -> memref<10000x128xf32, #tpu.memory_space<hbm>>
    tpu.wait_indirect_dma semaphore(%arg18 : memref<!tpu.dma_semaphore, #tpu.memory_space<semaphore_mem>>) src(%dma_wait3A_72 : memref<10000x128xf32, #tpu.memory_space<hbm>>) dst(%arg11 : memref<128x128xf32, #tpu.memory_space<vmem>>)
    %add3A_73 = arith.constant 2560 : i32
    %add3A_74 = arith.addi %add3A, %add3A_73 : i32
    %mul3A_75 = arith.constant 128 : i32
    %mul3A_76 = arith.muli %add3A_74, %mul3A_75 : i32
    %dma_wait3A_77 = tpu.memref_slice %arg4[%mul3A_76] : memref<352256xi32, #tpu.memory_space<hbm>> -> memref<128xi32, #tpu.memory_space<hbm>>
    %dma_wait3A_78 = tpu.memref_slice %arg4[%mul3A_76] : memref<352256xi32, #tpu.memory_space<hbm>> -> memref<128xi32, #tpu.memory_space<hbm>>
    tpu.wait_dma2 semaphore(%arg16 : memref<!tpu.dma_semaphore, #tpu.memory_space<semaphore_mem>>) src(%dma_wait3A_78 : memref<128xi32, #tpu.memory_space<hbm>>) dst(%arg9 : memref<128xi32, #tpu.memory_space<vmem>>)
    %barrier3A_79 = arith.constant 0 : index
    tpu.barrier barrier_id(%barrier3A_79)
    %mul3A_80 = arith.constant 640 : i32
    %mul3A_81 = arith.muli %arg1, %mul3A_80 : i32
    %mul3A_82 = arith.constant 640 : i32
    %mul3A_83 = arith.muli %arg1, %mul3A_82 : i32
    "tpu.region"() ({
      %run_scoped3A = tpu.sem_alloc : memref<!tpu.dma_semaphore, #tpu.memory_space<semaphore_mem>>
      %dma_start3A_84 = arith.constant 0 : i32
      %dma_start3A_85 = tpu.memref_slice %arg6[%arg0, %mul3A_83, %dma_start3A_84] : memref<2x10240x128xf32, #tpu.memory_space<hbm>> -> memref<1x640x128xf32, #tpu.memory_space<hbm>>
      %dma_start3A_86 = tpu.memref_squeeze %dma_start3A_85 : memref<1x640x128xf32, #tpu.memory_space<hbm>> -> memref<640x128xf32, #tpu.memory_space<hbm>>
      %dma_start3A_87 = arith.constant 0 : i32
      %dma_start3A_88 = tpu.memref_slice %arg13[%mul3A_81, %dma_start3A_87] : memref<10240x128xf32, #tpu.memory_space<vmem_shared>> -> memref<640x128xf32, #tpu.memory_space<vmem_shared>>
      tpu.enqueue_dma source(%dma_start3A_88 : memref<640x128xf32, #tpu.memory_space<vmem_shared>>) target(%dma_start3A_86 : memref<640x128xf32, #tpu.memory_space<hbm>>) target_semaphore(%run_scoped3A : memref<!tpu.dma_semaphore, #tpu.memory_space<semaphore_mem>>)
      %dma_wait3A_89 = arith.constant 0 : i32
      %dma_wait3A_90 = tpu.memref_slice %arg6[%arg0, %mul3A_83, %dma_wait3A_89] : memref<2x10240x128xf32, #tpu.memory_space<hbm>> -> memref<1x640x128xf32, #tpu.memory_space<hbm>>
      %dma_wait3A_91 = tpu.memref_squeeze %dma_wait3A_90 : memref<1x640x128xf32, #tpu.memory_space<hbm>> -> memref<640x128xf32, #tpu.memory_space<hbm>>
      %dma_wait3A_92 = arith.constant 0 : i32
      %dma_wait3A_93 = tpu.memref_slice %arg13[%mul3A_81, %dma_wait3A_92] : memref<10240x128xf32, #tpu.memory_space<vmem_shared>> -> memref<640x128xf32, #tpu.memory_space<vmem_shared>>
      tpu.wait_dma2 semaphore(%run_scoped3A : memref<!tpu.dma_semaphore, #tpu.memory_space<semaphore_mem>>) src(%dma_wait3A_93 : memref<640x128xf32, #tpu.memory_space<vmem_shared>>) dst(%dma_wait3A_91 : memref<640x128xf32, #tpu.memory_space<hbm>>)
      tpu.yield
    }) : () -> ()
    return
  }
}

module attributes {stable_mosaic.version = 14 : i64} {
  func.func @_k2_body(%arg0: i32, %arg1: memref<400x128xf32, #tpu.memory_space<vmem>>, %arg2: memref<400x1xf32, #tpu.memory_space<vmem>>, %arg3: memref<400x1xf32, #tpu.memory_space<vmem>>, %arg4: memref<128x128xf32, #tpu.memory_space<vmem>>, %arg5: memref<128x128xf32, #tpu.memory_space<vmem>>, %arg6: memref<1x128xf32, #tpu.memory_space<vmem>>, %arg7: memref<400x128xf32, #tpu.memory_space<vmem>>, %arg8: memref<400x128xf32, #tpu.memory_space<vmem>>, %arg9: memref<400x1xf32, #tpu.memory_space<vmem>>) attributes {dimension_semantics = [#tpu.dimension_semantics<arbitrary>], iteration_bounds = array<i64: 25>, scalar_prefetch = 0 : i64, scratch_operands = 0 : i64, tpu.core_type = #tpu.core_type<tc>, window_params = [{transform_indices = @transform_0, window_bounds = array<i64: 400, 128>}, {transform_indices = @transform_1, window_bounds = array<i64: 400, 1>}, {transform_indices = @transform_2, window_bounds = array<i64: 400, 1>}, {pipeline_mode = #tpu.pipeline_mode<synchronous>, transform_indices = @transform_3, window_bounds = array<i64: 128, 128>}, {pipeline_mode = #tpu.pipeline_mode<synchronous>, transform_indices = @transform_4, window_bounds = array<i64: 128, 128>}, {pipeline_mode = #tpu.pipeline_mode<synchronous>, transform_indices = @transform_5, window_bounds = array<i64: 1, 128>}, {transform_indices = @transform_6, window_bounds = array<i64: 400, 128>}, {transform_indices = @transform_7, window_bounds = array<i64: 400, 128>}, {transform_indices = @transform_8, window_bounds = array<i64: 400, 1>}]} {
    %get3A = arith.constant 0 : index
    %get3A_0 = arith.constant 0 : index
    %get3A_1 = vector.load %arg1[%get3A, %get3A_0] : memref<400x128xf32, #tpu.memory_space<vmem>>, vector<400x128xf32>
    %get3A_2 = arith.constant 0 : index
    %get3A_3 = arith.constant 0 : index
    %get3A_4 = vector.load %arg2[%get3A_2, %get3A_3] : memref<400x1xf32, #tpu.memory_space<vmem>>, vector<400x1xf32>
    %get3A_5 = arith.constant 0 : index
    %get3A_6 = arith.constant 0 : index
    %get3A_7 = vector.load %arg3[%get3A_5, %get3A_6] : memref<400x1xf32, #tpu.memory_space<vmem>>, vector<400x1xf32>
    %add3A = arith.addf %get3A_4, %get3A_7 : vector<400x1xf32>
    %gt3A = arith.constant 0.000000e+00 : f32
    %gt3A_8 = vector.broadcast %gt3A : f32 to vector<400x1xf32>
    %gt3A_9 = arith.cmpf ogt, %add3A, %gt3A_8 : vector<400x1xf32>
    %rsqrt3A = math.rsqrt %add3A : vector<400x1xf32>
    %jit3A = arith.constant 0.000000e+00 : f32
    %broadcast_in_dim3A = vector.broadcast %jit3A : f32 to vector<400x1xf32>
    %select_n3A = arith.select %gt3A_9, %rsqrt3A, %broadcast_in_dim3A : vector<400x1xi1>, vector<400x1xf32>
    %get3A_10 = arith.constant 0 : index
    %get3A_11 = arith.constant 0 : index
    %get3A_12 = vector.load %arg5[%get3A_10, %get3A_11] : memref<128x128xf32, #tpu.memory_space<vmem>>, vector<128x128xf32>
    %dot_general3A = arith.constant dense<0.000000e+00> : vector<400x128xf32>
    %dot_general3A_13 = tpu.matmul %get3A_1, %get3A_12, %dot_general3A {dimension_numbers = #tpu.dot_dimension_numbers<[1], [0], [0], [1], [0, 0, 1, 1], [], []>, transpose_lhs_hint = false} : vector<400x128xf32>, vector<128x128xf32>, vector<400x128xf32> -> vector<400x128xf32>
    %mul3A = vector.broadcast %select_n3A : vector<400x1xf32> to vector<400x128xf32>
    %mul3A_14 = arith.mulf %mul3A, %dot_general3A_13 : vector<400x128xf32>
    %swap3A = arith.constant 0 : index
    %swap3A_15 = arith.constant 0 : index
    %swap3A_16 = vector.load %arg7[%swap3A, %swap3A_15] : memref<400x128xf32, #tpu.memory_space<vmem>>, vector<400x128xf32>
    tpu.vector_store %arg7[%swap3A, %swap3A_15], %mul3A_14 {strides = array<i32>} : memref<400x128xf32, #tpu.memory_space<vmem>>, vector<400x128xf32>,
    %get3A_17 = arith.constant 0 : index
    %get3A_18 = arith.constant 0 : index
    %get3A_19 = vector.load %arg4[%get3A_17, %get3A_18] : memref<128x128xf32, #tpu.memory_space<vmem>>, vector<128x128xf32>
    %dot_general3A_20 = arith.constant dense<0.000000e+00> : vector<400x128xf32>
    %dot_general3A_21 = tpu.matmul %get3A_1, %get3A_19, %dot_general3A_20 {dimension_numbers = #tpu.dot_dimension_numbers<[1], [0], [0], [1], [0, 0, 1, 1], [], []>, transpose_lhs_hint = false} : vector<400x128xf32>, vector<128x128xf32>, vector<400x128xf32> -> vector<400x128xf32>
    %get3A_22 = arith.constant 0 : index
    %get3A_23 = arith.constant 0 : index
    %get3A_24 = vector.load %arg6[%get3A_22, %get3A_23] : memref<1x128xf32, #tpu.memory_space<vmem>>, vector<1x128xf32>
    %add3A_25 = vector.broadcast %get3A_24 : vector<1x128xf32> to vector<400x128xf32>
    %add3A_26 = arith.addf %dot_general3A_21, %add3A_25 : vector<400x128xf32>
    %swap3A_27 = arith.constant 0 : index
    %swap3A_28 = arith.constant 0 : index
    %swap3A_29 = vector.load %arg8[%swap3A_27, %swap3A_28] : memref<400x128xf32, #tpu.memory_space<vmem>>, vector<400x128xf32>
    tpu.vector_store %arg8[%swap3A_27, %swap3A_28], %add3A_26 {strides = array<i32>} : memref<400x128xf32, #tpu.memory_space<vmem>>, vector<400x128xf32>,
    %swap3A_30 = arith.constant 0 : index
    %swap3A_31 = arith.constant 0 : index
    %swap3A_32 = vector.load %arg9[%swap3A_30, %swap3A_31] : memref<400x1xf32, #tpu.memory_space<vmem>>, vector<400x1xf32>
    tpu.vector_store %arg9[%swap3A_30, %swap3A_31], %select_n3A {strides = array<i32>} : memref<400x1xf32, #tpu.memory_space<vmem>>, vector<400x1xf32>,
    return
  }
  func.func @transform_0(%arg0: i32) -> (i32, i32) {
    %c0_i32 = arith.constant 0 : i32
    %c0_i32_0 = arith.constant 0 : i32
    return %arg0, %c0_i32 : i32, i32
  }
  func.func @transform_1(%arg0: i32) -> (i32, i32) {
    %c0_i32 = arith.constant 0 : i32
    %c0_i32_0 = arith.constant 0 : i32
    return %arg0, %c0_i32 : i32, i32
  }
  func.func @transform_2(%arg0: i32) -> (i32, i32) {
    %c0_i32 = arith.constant 0 : i32
    %c0_i32_0 = arith.constant 0 : i32
    return %arg0, %c0_i32 : i32, i32
  }
  func.func @transform_3(%arg0: i32) -> (i32, i32) {
    %c0_i32 = arith.constant 0 : i32
    %c0_i32_0 = arith.constant 0 : i32
    %c0_i32_1 = arith.constant 0 : i32
    return %c0_i32, %c0_i32_0 : i32, i32
  }
  func.func @transform_4(%arg0: i32) -> (i32, i32) {
    %c0_i32 = arith.constant 0 : i32
    %c0_i32_0 = arith.constant 0 : i32
    %c0_i32_1 = arith.constant 0 : i32
    return %c0_i32, %c0_i32_0 : i32, i32
  }
  func.func @transform_5(%arg0: i32) -> (i32, i32) {
    %c0_i32 = arith.constant 0 : i32
    %c0_i32_0 = arith.constant 0 : i32
    %c0_i32_1 = arith.constant 0 : i32
    return %c0_i32, %c0_i32_0 : i32, i32
  }
  func.func @transform_6(%arg0: i32) -> (i32, i32) {
    %c0_i32 = arith.constant 0 : i32
    %c0_i32_0 = arith.constant 0 : i32
    return %arg0, %c0_i32 : i32, i32
  }
  func.func @transform_7(%arg0: i32) -> (i32, i32) {
    %c0_i32 = arith.constant 0 : i32
    %c0_i32_0 = arith.constant 0 : i32
    return %arg0, %c0_i32 : i32, i32
  }
  func.func @transform_8(%arg0: i32) -> (i32, i32) {
    %c0_i32 = arith.constant 0 : i32
    %c0_i32_0 = arith.constant 0 : i32
    return %arg0, %c0_i32 : i32, i32
  }
}

module attributes {stable_mosaic.version = 14 : i64} {
  func.func @_k4_body(%arg0: i32, %arg1: memref<400x128xf32, #tpu.memory_space<vmem>>, %arg2: memref<400x1xf32, #tpu.memory_space<vmem>>, %arg3: memref<2x400x128xf32, #tpu.memory_space<vmem>>, %arg4: memref<400x128xf32, #tpu.memory_space<vmem>>) attributes {dimension_semantics = [#tpu.dimension_semantics<arbitrary>], iteration_bounds = array<i64: 25>, scalar_prefetch = 0 : i64, scratch_operands = 0 : i64, tpu.core_type = #tpu.core_type<tc>, window_params = [{transform_indices = @transform_0, window_bounds = array<i64: 400, 128>}, {transform_indices = @transform_1, window_bounds = array<i64: 400, 1>}, {transform_indices = @transform_2, window_bounds = array<i64: 2, 400, 128>}, {transform_indices = @transform_3, window_bounds = array<i64: 400, 128>}]} {
    %get3A = arith.constant 0 : index
    %get3A_0 = arith.constant 0 : index
    %get3A_1 = arith.constant 0 : index
    %get3A_2 = vector.load %arg3[%get3A, %get3A_0, %get3A_1] : memref<2x400x128xf32, #tpu.memory_space<vmem>>, vector<1x400x128xf32>
    %get3A_3 = vector.shape_cast %get3A_2 : vector<1x400x128xf32> to vector<400x128xf32>
    %get3A_4 = arith.constant 1 : index
    %get3A_5 = arith.constant 0 : index
    %get3A_6 = arith.constant 0 : index
    %get3A_7 = vector.load %arg3[%get3A_4, %get3A_5, %get3A_6] : memref<2x400x128xf32, #tpu.memory_space<vmem>>, vector<1x400x128xf32>
    %get3A_8 = vector.shape_cast %get3A_7 : vector<1x400x128xf32> to vector<400x128xf32>
    %add3A = arith.addf %get3A_3, %get3A_8 : vector<400x128xf32>
    %get3A_9 = arith.constant 0 : index
    %get3A_10 = arith.constant 0 : index
    %get3A_11 = vector.load %arg1[%get3A_9, %get3A_10] : memref<400x128xf32, #tpu.memory_space<vmem>>, vector<400x128xf32>
    %get3A_12 = arith.constant 0 : index
    %get3A_13 = arith.constant 0 : index
    %get3A_14 = vector.load %arg2[%get3A_12, %get3A_13] : memref<400x1xf32, #tpu.memory_space<vmem>>, vector<400x1xf32>
    %mul3A = vector.broadcast %get3A_14 : vector<400x1xf32> to vector<400x128xf32>
    %mul3A_15 = arith.mulf %mul3A, %add3A : vector<400x128xf32>
    %sub3A = arith.subf %get3A_11, %mul3A_15 : vector<400x128xf32>
    %max3A = arith.constant 0.000000e+00 : f32
    %max3A_16 = vector.broadcast %max3A : f32 to vector<400x128xf32>
    %max3A_17 = arith.maximumf %sub3A, %max3A_16 : vector<400x128xf32>
    %swap3A = arith.constant 0 : index
    %swap3A_18 = arith.constant 0 : index
    %swap3A_19 = vector.load %arg4[%swap3A, %swap3A_18] : memref<400x128xf32, #tpu.memory_space<vmem>>, vector<400x128xf32>
    tpu.vector_store %arg4[%swap3A, %swap3A_18], %max3A_17 {strides = array<i32>} : memref<400x128xf32, #tpu.memory_space<vmem>>, vector<400x128xf32>,
    return
  }
  func.func @transform_0(%arg0: i32) -> (i32, i32) {
    %c0_i32 = arith.constant 0 : i32
    %c0_i32_0 = arith.constant 0 : i32
    return %arg0, %c0_i32 : i32, i32
  }
  func.func @transform_1(%arg0: i32) -> (i32, i32) {
    %c0_i32 = arith.constant 0 : i32
    %c0_i32_0 = arith.constant 0 : i32
    return %arg0, %c0_i32 : i32, i32
  }
  func.func @transform_2(%arg0: i32) -> (i32, i32, i32) {
    %c0_i32 = arith.constant 0 : i32
    %c0_i32_0 = arith.constant 0 : i32
    %c0_i32_1 = arith.constant 0 : i32
    return %c0_i32, %arg0, %c0_i32_0 : i32, i32, i32
  }
  func.func @transform_3(%arg0: i32) -> (i32, i32) {
    %c0_i32 = arith.constant 0 : i32
    %c0_i32_0 = arith.constant 0 : i32
    return %arg0, %c0_i32 : i32, i32
  }
}

</mosaic_0001>

<sc_bundles>
// kernel: kernel.6.cloned.1.call-start
scs
__scs_entry_jumppad:
0x0: {  	(pc) =	sbr.rel $0x88, $3  }
0x1: {  	(tag) =	ssettag $0x0;
	lr =	simm.s32 $0x1  }
0x2: {  	[smem:$0x3F9C] =	sst lr;
	_ =	strace $0xD0000000  }
0x3: {  	_ = 	snop  }
0x4: {  	_ = 	snop  }
0x5: {  	_ = 	snop  }
0x6: {  	_ = 	snop  }
0x7: {  	_ = 	snop  }
__scs_overlays_trampoline_lowered:
0x8: {  	[smem:$0x3FAB] =	sst s0  }
0x9: {  	[smem:$0x3FAC] =	sst s1  }
0xa: {  	[smem:$0x3FAD] =	sst s2  }
0xb: {  	[smem:$0x3FAE] =	sst s3  }
0xc: {  	[smem:$0x3FAF] =	sst s4  }
0xd: {  	[smem:$0x3FB0] =	sst s5  }
0xe: {  	[smem:$0x3FB1] =	sst s6  }
0xf: {  	[smem:$0x3FB2] =	sst s7  }
0x10: {  	[smem:$0x3FB3] =	sst s8  }
0x11: {  	[smem:$0x3FB4] =	sst s9;
	s0 =	simm.s32 @!p0 $0x0  }
0x12: {  	s1 =	sld [smem:$0x3F9A];
	s0 =	simm.s32 @p0 $0x1  }
0x13: {  	[smem:$0x3FB5] =	sst s0;
	s0 =	simm.s32 @!p1 $0x0  }
0x14: {  	s2 =	sld [smem:$0x3F99];
	s0 =	simm.s32 @p1 $0x1  }
0x15: {  	[smem:$0x3FB6] =	sst s0;
	s0 =	simm.s32 @!p2 $0x0  }
0x16: {  	s3 =	sld [smem:$0x3FDB];
	s0 =	simm.s32 @p2 $0x1  }
0x17: {  	s4 =	simm.s32 $0x1BF5;
	[smem:$0x3FB8] =	sst s0  }
0x18: {  	s0 =	sld [smem:$0x3F9B];
	_ =	swait.ge [sflag:s4], $0x0  }
0x19: {  	s7 =	sld [smem:$0x3F9C]  }
0x1a: {  	s8 =	sadd.s32 $0xFFFFE003, lr  }
0x1b: {  	s9 =	sadd.s32 $0xFFFFFEF7, lr;
	s5 =	simm.s32 $0xFFFFFFFF;
	p2 =	slt.u32 s8, $0xFFFFF086  }
0x1c: {  	p1 =	slt.u32 s9, $0xF7A;
	s5 =	simm.s32 @!p2 $0x0  }
0x1d: {  	s5 =	simm.s32 @p1 $0x1;
	p0 =	seq.s32 s7, s2  }
0x1e: {  	s7 =	smul.u32 @!p0 $0xF7A, s2;
	p2 =	seq.s32 @!p0 s5, $0x0  }
0x1f: {  	s9 =	smul.u32 $0xF7A, s1;
	s8 =	simm.s32 @!p0 $0x1BF5;
	p2 =	por !p2, p0  }
0x20: {  	[sflag:s8] =	ssyncset.s32 @!p0 $0xFFFFF086;
	s6 =	sadd.s32 @!p0 s3, s7;
	s7 =	simm.s32 @!p0 $0x108  }
0x21: {  	s3 =	sadd.s32 s3, s9;
	s6 =	sadd.s32 @!p0 $0x88, s6;
	s7 =	simm.s32 @p2 $0x1082  }
0x22: {  	[simem:s7], [sflag:s8] =	dma.local @!p0 [hbm:s6], $0xF7A  }
0x23: {  	s9 =	sor.u32 $0xD0000000, s2;
	s6 =	simm.s32 $0x108;
	_ =	swait.ge @!p0 [sflag:s8], $0x0  }
0x24: {  	s3 =	sadd.s32 $0x88, s3;
	s6 =	simm.s32 @!p1 $0x1082;
	[sflag:s4] =	ssyncset.s32 $0xFFFFF086  }
0x25: {  	[simem:s6], [sflag:s4] =	dma.local [hbm:s3], $0xF7A  }
0x26: {  	[smem:$0x3F9C] =	sst s1;
	(tag) =	ssettag s2;
	_ =	strace s9  }
0x27: {  	s1 =	sld [smem:$0x3FAC]  }
0x28: {  	s2 =	sld [smem:$0x3FAD]  }
0x29: {  	s4 =	sld [smem:$0x3FAF]  }
0x2a: {  	p0 =	seq.s32 s5, $0x0;
	s5 =	sld [smem:$0x3FB0]  }
0x2b: {  	s6 =	sld [smem:$0x3FB1]  }
0x2c: {  	s7 =	sld [smem:$0x3FB2]  }
0x2d: {  	s3 =	simm.s32 $0x108;
	s8 =	sld [smem:$0x3FB3]  }
0x2e: {  	s3 =	simm.s32 @!p0 $0x1082;
	s9 =	sld [smem:$0x3FB4]  }
0x2f: {  	lr =	sadd.s32 s0, s3;
	s0 =	sld [smem:$0x3FAB]  }
0x30: {  	s3 =	sld [smem:$0x3FAE]  }
0x31: {  	[smem:$0x3FB7] =	sst s10  }
0x32: {  	s10 =	sld [smem:$0x3FB5];
	_ =	sdelay $0x3  }
0x33: {  	p0 =	seq.s32 s10, $0x1;
	s10 =	sld [smem:$0x3FB7];
	_ =	sdelay $0x3  }
0x34: {  	[smem:$0x3FB7] =	sst s10  }
0x35: {  	s10 =	sld [smem:$0x3FB6];
	_ =	sdelay $0x3  }
0x36: {  	p1 =	seq.s32 s10, $0x1;
	s10 =	sld [smem:$0x3FB7];
	_ =	sdelay $0x3  }
0x37: {  	[smem:$0x3FB7] =	sst s10  }
0x38: {  	s10 =	sld [smem:$0x3FB8]  }
0x39: {  	_ = 	snop;
	(pc) =	sbr.ind lr, $3  }
0x3a: {  	_ = 	snop  }
0x3b: {  	_ = 	snop  }
0x3c: {  	p2 =	seq.s32 s10, $0x1;
	s10 =	sld [smem:$0x3FB7]  }
0x3d: {  	_ =	shalt  }
0x3e: {  	_ =	shalt  }
0x3f: {  	_ =	shalt  }
0x40: {  	_ =	shalt  }
0x41: {  	_ =	shalt  }
0x42: {  	_ =	shalt  }
0x43: {  	_ =	shalt  }
0x44: {  	_ =	shalt  }
0x45: {  	_ =	shalt  }
0x46: {  	_ =	shalt  }
0x47: {  	_ =	shalt  }
0x48: {  	_ =	shalt  }
0x49: {  	_ =	shalt  }
0x4a: {  	_ =	shalt  }
0x4b: {  	_ =	shalt  }
0x4c: {  	_ =	shalt  }
0x4d: {  	_ =	shalt  }
0x4e: {  	_ =	shalt  }
0x4f: {  	_ =	shalt  }
0x50: {  	_ =	shalt  }
0x51: {  	_ =	shalt  }
0x52: {  	_ =	shalt  }
0x53: {  	_ =	shalt  }
0x54: {  	_ =	shalt  }
0x55: {  	_ =	shalt  }
0x56: {  	_ =	shalt  }
0x57: {  	_ =	shalt  }
0x58: {  	_ =	shalt  }
0x59: {  	_ =	shalt  }
0x5a: {  	_ =	shalt  }
0x5b: {  	_ =	shalt  }
0x5c: {  	_ =	shalt  }
0x5d: {  	_ =	shalt  }
0x5e: {  	_ =	shalt  }
0x5f: {  	_ =	shalt  }
0x60: {  	_ =	shalt  }
0x61: {  	_ =	shalt  }
0x62: {  	_ =	shalt  }
0x63: {  	_ =	shalt  }
0x64: {  	_ =	shalt  }
0x65: {  	_ =	shalt  }
0x66: {  	_ =	shalt  }
0x67: {  	_ =	shalt  }
0x68: {  	_ =	shalt  }
0x69: {  	_ =	shalt  }
0x6a: {  	_ =	shalt  }
0x6b: {  	_ =	shalt  }
0x6c: {  	_ =	shalt  }
0x6d: {  	_ =	shalt  }
0x6e: {  	_ =	shalt  }
0x6f: {  	_ =	shalt  }
0x70: {  	_ =	shalt  }
0x71: {  	_ =	shalt  }
0x72: {  	_ =	shalt  }
0x73: {  	_ =	shalt  }
0x74: {  	_ =	shalt  }
0x75: {  	_ =	shalt  }
0x76: {  	_ =	shalt  }
0x77: {  	_ =	shalt  }
0x78: {  	_ =	shalt  }
0x79: {  	_ =	shalt  }
0x7a: {  	_ =	shalt  }
0x7b: {  	_ =	shalt  }
0x7c: {  	_ =	shalt  }
0x7d: {  	_ =	shalt  }
0x7e: {  	_ =	shalt  }
0x7f: {  	_ =	shalt  }
0x80: {  	_ =	shalt  }
0x81: {  	_ =	shalt  }
0x82: {  	_ =	shalt  }
0x83: {  	_ =	shalt  }
0x84: {  	_ =	shalt  }
0x85: {  	_ =	shalt  }
0x86: {  	_ =	shalt  }
0x87: {  	_ =	shalt  }
.Lfunc_end0:
.L_simem_size_0:
called_computation_lowered:
.L_overlay_start_0:
0x88: {  	s2 =	sld [smem:$0x3FD9]  }
0x89: {  	s3 =	sld [smem:$0x3FFE];
	_ =	sdelay $0x1  }
0x8a: {  	s1 =	srdreg.scid  }
0x8b: {  	s0 =	sand.u32 $0x1, s1  }
0x8c: {  	s17 =	sshll.u32 s0, $0xA;
	s2 =	sadd.s32 s3, s2  }
0x8d: {  	s2 =	sadd.s32 s2, s17  }
0x8e: {  	[smem:$0x3FC3] =	sst s2  }
0x8f: {  	_ = 	snop  }
0x90: {  	s2 =	sld [smem:$0x3FD0];
	(tm) =	ssettm $0x1  }
0x91: {  	s18 =	sld [smem:$0x3FFB];
	_ =	sdelay $0x3  }
0x92: {  	_ =	strace s18  }
0x93: {  	s3 =	sld [smem:$0x3FFC];
	_ =	sdelay $0x3  }
0x94: {  	_ =	strace s3  }
0x95: {  	s3 =	sld [smem:$0x3FFD];
	_ =	sdelay $0x3  }
0x96: {  	_ =	strace s3  }
0x97: {  	_ =	strace $0x8FFFFFFF  }
0x98: {  	s19 =	sld [smem:$0x3FDB];
	_ =	sdelay $0x1  }
0x99: {  	s4 =	simm.s32 $_scs_section_size  }
0x9a: {  	s5 =	simm.s32 $_size__tile_overlayer_lowered;
	s6 =	simm.s32 $_tile_overlayer_lowered  }
0x9b: {  	s22 =	simm.s32 $0x1BFF;
	s21 =	sshll.u32 s6, $0x1;
	s3 =	sadd.s32 s4, s19  }
0x9c: {  	s7 =	simm.s32 $0x0;
	s20 =	sshll.u32 s5, $0x1;
	s5 =	sadd.s32 s21, s3  }
0x9d: {  	[timem:s7], [sflag:s22] =	dma.local [hbm:s5], s20  }
0x9e: {  	_ =	swait.ge [sflag:s22], s20  }
0x9f: {  	s4 =	ssub.s32 $0x0, s20;
	[sflag:s22] =	ssyncset.done $0x0  }
0xa0: {  	[sflag:s22] =	ssyncadd.s32 s4;
	_ =	sdelay $0x1  }
0xa1: {  	s23 =	simm.s32 $0x1B8B  }
0xa2: {  	_ =	swait.ge [sflag:s23], $0x1  }
0xa3: {  	[sflag:s23] =	ssyncset.done $0x0  }
0xa4: {  	s25 =	simm.s32 $0x1B8E;
	s24 =	sld [smem:$0x3FFE];
	[sflag:s23] =	ssyncadd.s32 $0xFFFFFFFF  }
0xa5: {  	s26 =	simm.s32 $execute0_lowered;
	[smem:$0x3FD2] =	sst s25  }
0xa6: {  	s5 =	sshll.u32 s26, $0x1;
	_ =	strace $0x80000046;
	[dreg:$0x1] =	wrdreg $0xFFFFFFFF  }
0xa7: {  	s28 =	simm.s32 $_size_execute0_lowered;
	s3 =	sadd.s32 s3, s5;
	[dreg:$0x0] =	wrdreg $0x0  }
0xa8: {  	s5 =	sshll.u32 s28, $0x1;
	[dreg:$0x2] =	wrdreg s3  }
0xa9: {  	[dreg:$0x3] =	wrdreg s5  }
0xaa: {  	[dreg:$0x4] =	wrdreg $0xC0  }
0xab: {  	_ =	task [dreg:s7], $0x5FFFF  }
0xac: {  	[dreg:$0x1] =	wrdreg $0xFFFFFFFF  }
0xad: {  	[dreg:$0x0] =	wrdreg $0x60  }
0xae: {  	[dreg:$0x2] =	wrdreg s2  }
0xaf: {  	[dreg:$0x3] =	wrdreg s24  }
0xb0: {  	[dreg:$0x4] =	wrdreg $0x7000  }
0xb1: {  	[dreg:$0x5] =	wrdreg $0x9  }
0xb2: {  	_ =	task.clear_ibuf [dreg:s7], $0x6FFFF;
	_ =	strace $0x90000046  }
0xb3: {  	s29 =	simm.s32 $0x9;
	_ =	strace $0x80000048  }
0xb4: {  	_ =	swait.ge [sflag:s29], $0x1  }
0xb5: {  	[sflag:s29] =	ssyncadd.s32 $0xFFFFFFFF  }
0xb6: {  	_ =	strace $0x90000048  }
0xb7: {  	_ =	sfence  }
0xb8: {  	s30 =	sld [smem:$0x0];
	_ =	sdelay $0x2  }
0xb9: {  	s31 =	sshll.u32 s1, $0xD;
	s1 =	sshrl.u32 s1, $0x2  }
0xba: {  	s3 =	sand.u32 $0x4000, s31;
	s1 =	sadd.s32 s1, s30  }
0xbb: {  	s0 =	sor.u32 s3, s0;
	s1 =	sshll.u32 s1, $0x11  }
0xbc: {  	s0 =	sor.u32 s1, s0  }
0xbd: {  	s0 =	sadd.s32 $0x8F2B, s0  }
0xbe: {  	[sflag:s0] =	ssyncadd.remote.s32 $0x1  }
0xbf: {  	_ =	sfence.sel $0xFFFF  }
0xc0: {  	[dreg:$0x0] =	wrdreg $0xFFFFFFFF;
	(pc) =	sbr.abs _section_cstart, $3  }
0xc1: {  	[dreg:$0x1] =	wrdreg $0xFFFFFFFF  }
0xc2: {  	_ =	task.clear_ibuf [dreg:s7], $0x2FFFF;
	_ =	strace $0x9FFFFFFF  }
0xc3: {  	(tm) =	ssettm $0x7FFFFFFF  }
tec
execute0_lowered:
.L_overlay_start_1:
0x0: {  	(tag) =	ssettag $0x1  }
0x1: {  	s0 =	rddreg [dreg:$0x0]  }
0x2: {  	s1 =	rddreg [dreg:$0x1]  }
0x3: {  	s2 =	rddreg [dreg:$0x2]  }
0x4: {  	s4 =	srdreg.scid;
	s5 =	stileid.u32;
	s3 =	simm.s32 $0x0  }
0x5: {  	s15 =	simm.s32 $0x480;
	s16 =	simm.s32 $0x11;
	s17 =	simm.s32 $0x400  }
0x6: {  	s28 =	simm.s32 $0x10;
	s29 =	simm.s32 $0x380;
	s30 =	simm.s32 $0x3  }
0x7: {  	s31 =	simm.s32 $0x9;
	s11 =	simm.s32 $0x7;
	s12 =	simm.s32 $0xD  }
0x8: {  	s13 =	simm.s32 $0x8;
	s14 =	simm.s32 $0xE;
	s4 =	sand.u32 $0x1, s4  }
0x9: {  	s6 =	smul.u32 $0x280, s5;
	[smem:$0x7FF] =	sst s3;
	s8 =	sadd.s32 $0x17400, s1  }
0xa: {  	s18 =	sadd.s32 $0x17200, s1;
	_ =	strace $0x80000047;
	[dreg:$0x5] =	wrdreg s8  }
0xb: {  	s9 =	sshll.u32 s5, $0x4;
	s7 =	smul.u32 $0x2800, s4;
	[dreg:$0x6] =	wrdreg s18  }
0xc: {  	s19 =	sshll.u32 s4, $0x8;
	s4 =	ssub.s32 $0x2, s4;
	s18 =	simm.s32 $0x80  }
0xd: {  	s8 =	simm.s32 $0xB;
	s10 =	sor.u32 s9, s19;
	s20 =	sshrl.u32 s4, $0x1  }
0xe: {  	s7 =	sadd.s32 s6, s7;
	s21 =	sadd.s32 s0, s10;
	s4 =	ssub.s32 s4, s20  }
0xf: {  	s0 =	sadd.s32 s19, s0;
	s19 =	simm.s32 $0x100;
	s20 =	simm.s32 $0x180  }
0x10: {  	s10 =	simm.s32 $0xC;
	s22 =	sadd.s32 $0x200, s21;
	[dreg:$0x7] =	wrdreg s21  }
0x11: {  	s7 =	sshrl.u32 s7, $0x3;
	s23 =	sadd.s32 $0x400, s21;
	[dreg:$0x9] =	wrdreg s22  }
0x12: {  	s24 =	sadd.s32 $0x600, s21;
	s25 =	sadd.s32 $0x800, s21;
	[dreg:$0xa] =	wrdreg s23  }
0x13: {  	s5 =	sadd.s32 $0xA00, s21;
	s0 =	sadd.s32 s9, s0;
	[dreg:$0xb] =	wrdreg s24  }
0x14: {  	s26 =	smax.u32 s4, $0x1;
	s21 =	simm.s32 $0x200;
	[dreg:$0xc] =	wrdreg s25  }
0x15: {  	s4 =	simm.s32 $0x5;
	s9 =	simm.s32 $0x6;
	[dreg:$0xd] =	wrdreg s5  }
0x16: {  	s1 =	sadd.s32 s7, s1;
	s7 =	sadd.s32 s6, s2;
	[dreg:$0xf] =	wrdreg s26  }
0x17: {  	[dreg:$0x4] =	wrdreg s0;
	s22 =	simm.s32 $0x280;
	s23 =	simm.s32 $0x1  }
0x18: {  	s24 =	simm.s32 $0xF;
	s25 =	simm.s32 $0x300;
	s26 =	simm.s32 $0x2  }
0x19: {  	s0 =	simm.s32 $0x4;
	s1 =	sadd.s32 $0x17600, s1;
	[dreg:$0x8] =	wrdreg s7  }
0x1a: {  	s6 =	simm.s32 $0x0;
	[dreg:$0xe] =	wrdreg s1;
	s1 =	simm.s32 $0xA  }
.LBB2_1:
0x1b: {  	s5 =	rddreg [dreg:$0x5]  }
0x1c: {  	[tilespmem:s15], [sflag:$0x11] =	stream.linear.gather [hbm4b:s5+s3], $0x280, $0x38;
	[tilespmem:$0x980] =	vst v63  }
0x1d: {  	_ =	swait.ge [sflag:s16], $0x280  }
0x1e: {  	[sflag:s16] =	ssyncset.done $0x0  }
0x1f: {  	[sflag:s16] =	ssyncadd.s32 $0xFFFFFD80  }
0x20: {  	[spmem:s7] =	stream.linear.scatter [tilespmem:s15], [sflag:$0x11], $0x280, $0x38;
	[tilespmem:$0x980] =	vst v63  }
0x21: {  	_ =	swait.ge [sflag:s16], $0x280  }
0x22: {  	[sflag:s16] =	ssyncset.done $0x0  }
0x23: {  	s5 =	rddreg [dreg:$0x6];
	[sflag:s16] =	ssyncadd.s32 $0xFFFFFD80  }
0x24: {  	[tilespmem:s17], [sflag:$0x11] =	stream.linear.gather [hbm4b:s5+s3], $0x80, $0x38;
	[tilespmem:$0x980] =	vst v63  }
0x25: {  	_ =	swait.ge [sflag:s16], $0x80  }
0x26: {  	[sflag:s16] =	ssyncset.done $0x0  }
0x27: {  	[sflag:s16] =	ssyncadd.s32 $0xFFFFFF80  }
0x28: {  	[bflag:$0x0] =	sbarrier.arrive $0xFFFF  }
0x29: {  	s15 =	rddreg [dreg:$0x7]  }
0x2a: {  	[tilespmem:s3], [sflag:$0x1] =	stream.linear.gather [hbm4b:s15+s3], $0x80, $0x38;
	[tilespmem:$0x980] =	vst v63  }
0x2b: {  	s15 =	rddreg [dreg:$0x9]  }
0x2c: {  	[tilespmem:s18], [sflag:$0x2] =	stream.linear.gather [hbm4b:s15+s3], $0x80, $0x38;
	[tilespmem:$0x980] =	vst v63  }
0x2d: {  	s15 =	rddreg [dreg:$0xa]  }
0x2e: {  	[tilespmem:s19], [sflag:$0x3] =	stream.linear.gather [hbm4b:s15+s3], $0x80, $0x38;
	[tilespmem:$0x980] =	vst v63  }
0x2f: {  	s15 =	rddreg [dreg:$0xb]  }
0x30: {  	[tilespmem:s20], [sflag:$0x4] =	stream.linear.gather [hbm4b:s15+s3], $0x80, $0x38;
	[tilespmem:$0x980] =	vst v63  }
0x31: {  	s15 =	rddreg [dreg:$0xc]  }
0x32: {  	[tilespmem:s21], [sflag:$0x5] =	stream.linear.gather [hbm4b:s15+s3], $0x80, $0x38;
	[tilespmem:$0x980] =	vst v63  }
0x33: {  	s15 =	rddreg [dreg:$0xd]  }
0x34: {  	[tilespmem:s22], [sflag:$0x6] =	stream.linear.gather [hbm4b:s15+s3], $0x80, $0x38;
	[tilespmem:$0x980] =	vst v63  }
0x35: {  	_ = 	snop  }
0x36: {  	[tilespmem:s17], [sflag:$0xF] =	stream.linear.gather [hbm4b:s5+s3], $0x80, $0x38;
	[tilespmem:$0x980] =	vst v63  }
0x37: {  	_ = 	snop  }
0x38: {  	[tilespmem:s17], [sflag:$0x10] =	stream.linear.gather [hbm4b:s5+s3], $0x80, $0x38;
	[tilespmem:$0x980] =	vst v63  }
0x39: {  	_ =	swait.ge [sflag:s23], $0x80  }
0x3a: {  	[sflag:s23] =	ssyncset.done $0x0  }
0x3b: {  	[sflag:s23] =	ssyncadd.s32 $0xFFFFFF80  }
0x3c: {  	[spmem:s2] =	stream.indirect.scatter.add.f32 [tilespmem:s17], [sflag:$0x9], $0x1, s3, s18, $0xb8;
	[tilespmem:$0x980] =	vst v63  }
0x3d: {  	_ =	swait.ge [sflag:s24], $0x80  }
0x3e: {  	s15 =	rddreg [dreg:$0x4]  }
0x3f: {  	[sflag:s24] =	ssyncset.done $0x0;
	s15 =	sadd.s32 $0x0, s15  }
0x40: {  	[sflag:s24] =	ssyncadd.s32 $0xFFFFFF80;
	s7 =	sadd.s32 $0xC00, s15  }
0x41: {  	[tilespmem:s25], [sflag:$0x7] =	stream.linear.gather [hbm4b:s7+s3], $0x80, $0x38;
	[tilespmem:$0x980] =	vst v63  }
0x42: {  	_ =	swait.ge [sflag:s26], $0x80  }
0x43: {  	[sflag:s26] =	ssyncset.done $0x0  }
0x44: {  	[sflag:s26] =	ssyncadd.s32 $0xFFFFFF80  }
0x45: {  	[spmem:s2] =	stream.indirect.scatter.add.f32 [tilespmem:s17], [sflag:$0xA], $0x1, s18, s18, $0xb8;
	[tilespmem:$0x980] =	vst v63  }
0x46: {  	_ =	swait.ge [sflag:s28], $0x80  }
0x47: {  	[sflag:s28] =	ssyncset.done $0x0  }
0x48: {  	s5 =	sadd.s32 $0xE00, s15;
	[sflag:s28] =	ssyncadd.s32 $0xFFFFFF80  }
0x49: {  	[tilespmem:s29], [sflag:$0x8] =	stream.linear.gather [hbm4b:s5+s3], $0x80, $0x38;
	[tilespmem:$0x980] =	vst v63  }
0x4a: {  	_ =	swait.ge [sflag:s30], $0x80  }
0x4b: {  	[sflag:s30] =	ssyncset.done $0x0  }
0x4c: {  	[sflag:s30] =	ssyncadd.s32 $0xFFFFFF80  }
0x4d: {  	[spmem:s2] =	stream.indirect.scatter.add.f32 [tilespmem:s17], [sflag:$0xB], $0x1, s19, s18, $0xb8;
	[tilespmem:$0x980] =	vst v63  }
0x4e: {  	_ =	swait.ge [sflag:s31], $0x80  }
0x4f: {  	[sflag:s31] =	ssyncset.done $0x0  }
0x50: {  	s5 =	sadd.s32 $0x1000, s15;
	[sflag:s31] =	ssyncadd.s32 $0xFFFFFF80  }
0x51: {  	[tilespmem:s3], [sflag:$0x1] =	stream.linear.gather [hbm4b:s5+s3], $0x80, $0x38;
	[tilespmem:$0x980] =	vst v63  }
0x52: {  	_ =	swait.ge [sflag:s0], $0x80  }
0x53: {  	[sflag:s0] =	ssyncset.done $0x0  }
0x54: {  	[sflag:s0] =	ssyncadd.s32 $0xFFFFFF80  }
0x55: {  	[spmem:s2] =	stream.indirect.scatter.add.f32 [tilespmem:s17], [sflag:$0xC], $0x1, s20, s18, $0xb8;
	[tilespmem:$0x980] =	vst v63  }
0x56: {  	_ =	swait.ge [sflag:s1], $0x80  }
0x57: {  	[sflag:s1] =	ssyncset.done $0x0  }
0x58: {  	s5 =	sadd.s32 $0x1200, s15;
	[sflag:s1] =	ssyncadd.s32 $0xFFFFFF80  }
0x59: {  	[tilespmem:s18], [sflag:$0x2] =	stream.linear.gather [hbm4b:s5+s3], $0x80, $0x38;
	[tilespmem:$0x980] =	vst v63  }
0x5a: {  	_ =	swait.ge [sflag:s4], $0x80  }
0x5b: {  	[sflag:s4] =	ssyncset.done $0x0  }
0x5c: {  	[sflag:s4] =	ssyncadd.s32 $0xFFFFFF80  }
0x5d: {  	[spmem:s2] =	stream.indirect.scatter.add.f32 [tilespmem:s17], [sflag:$0xD], $0x1, s21, s18, $0xb8;
	[tilespmem:$0x980] =	vst v63  }
0x5e: {  	_ =	swait.ge [sflag:s8], $0x80  }
0x5f: {  	[sflag:s8] =	ssyncset.done $0x0  }
0x60: {  	s5 =	sadd.s32 $0x1400, s15;
	[sflag:s8] =	ssyncadd.s32 $0xFFFFFF80  }
0x61: {  	[tilespmem:s19], [sflag:$0x3] =	stream.linear.gather [hbm4b:s5+s3], $0x80, $0x38;
	[tilespmem:$0x980] =	vst v63  }
0x62: {  	_ =	swait.ge [sflag:s9], $0x80  }
0x63: {  	[sflag:s9] =	ssyncset.done $0x0  }
0x64: {  	[sflag:s9] =	ssyncadd.s32 $0xFFFFFF80  }
0x65: {  	[spmem:s2] =	stream.indirect.scatter.add.f32 [tilespmem:s17], [sflag:$0xE], $0x1, s22, s18, $0xb8;
	[tilespmem:$0x980] =	vst v63  }
0x66: {  	_ =	swait.ge [sflag:s10], $0x80  }
0x67: {  	[sflag:s10] =	ssyncset.done $0x0  }
0x68: {  	s5 =	sadd.s32 $0x1600, s15;
	[sflag:s10] =	ssyncadd.s32 $0xFFFFFF80  }
0x69: {  	[tilespmem:s20], [sflag:$0x4] =	stream.linear.gather [hbm4b:s5+s3], $0x80, $0x38;
	[tilespmem:$0x980] =	vst v63  }
0x6a: {  	_ =	swait.ge [sflag:s11], $0x80  }
0x6b: {  	[sflag:s11] =	ssyncset.done $0x0  }
0x6c: {  	[sflag:s11] =	ssyncadd.s32 $0xFFFFFF80  }
0x6d: {  	[spmem:s2] =	stream.indirect.scatter.add.f32 [tilespmem:s17], [sflag:$0xF], $0x1, s25, s18, $0xb8;
	[tilespmem:$0x980] =	vst v63  }
0x6e: {  	_ =	swait.ge [sflag:s12], $0x80  }
0x6f: {  	[sflag:s12] =	ssyncset.done $0x0  }
0x70: {  	s5 =	sadd.s32 $0x1800, s15;
	[sflag:s12] =	ssyncadd.s32 $0xFFFFFF80  }
0x71: {  	[tilespmem:s21], [sflag:$0x5] =	stream.linear.gather [hbm4b:s5+s3], $0x80, $0x38;
	[tilespmem:$0x980] =	vst v63  }
0x72: {  	_ =	swait.ge [sflag:s13], $0x80  }
0x73: {  	[sflag:s13] =	ssyncset.done $0x0  }
0x74: {  	[sflag:s13] =	ssyncadd.s32 $0xFFFFFF80  }
0x75: {  	[spmem:s2] =	stream.indirect.scatter.add.f32 [tilespmem:s17], [sflag:$0x10], $0x1, s29, s18, $0xb8;
	[tilespmem:$0x980] =	vst v63  }
0x76: {  	_ =	swait.ge [sflag:s14], $0x80  }
0x77: {  	[sflag:s14] =	ssyncset.done $0x0  }
0x78: {  	s7 =	simm.s32 $0x1000;
	s15 =	sadd.s32 $0x1A00, s15;
	[sflag:s14] =	ssyncadd.s32 $0xFFFFFF80  }
.LBB2_2:
0x79: {  	[tilespmem:s22], [sflag:$0x6] =	stream.linear.gather [hbm4b:s15+s3], $0x80, $0x38;
	[tilespmem:$0x980] =	vst v63  }
0x7a: {  	_ =	swait.ge [sflag:s23], $0x80  }
0x7b: {  	[sflag:s23] =	ssyncset.done $0x0  }
0x7c: {  	[sflag:s23] =	ssyncadd.s32 $0xFFFFFF80  }
0x7d: {  	[spmem:s2] =	stream.indirect.scatter.add.f32 [tilespmem:s17], [sflag:$0x9], $0x1, s3, s18, $0xb8;
	[tilespmem:$0x980] =	vst v63  }
0x7e: {  	_ =	swait.ge [sflag:s24], $0x80  }
0x7f: {  	s15 =	smov.u32 s7;
	s5 =	rddreg [dreg:$0x4]  }
0x80: {  	[sflag:s24] =	ssyncset.done $0x0;
	s15 =	sadd.s32 s15, s5  }
0x81: {  	[sflag:s24] =	ssyncadd.s32 $0xFFFFFF80;
	s5 =	sadd.s32 $0xC00, s15  }
0x82: {  	[tilespmem:s25], [sflag:$0x7] =	stream.linear.gather [hbm4b:s5+s3], $0x80, $0x38;
	[tilespmem:$0x980] =	vst v63  }
0x83: {  	_ =	swait.ge [sflag:s26], $0x80  }
0x84: {  	[sflag:s26] =	ssyncset.done $0x0  }
0x85: {  	[sflag:s26] =	ssyncadd.s32 $0xFFFFFF80  }
0x86: {  	[spmem:s2] =	stream.indirect.scatter.add.f32 [tilespmem:s17], [sflag:$0xA], $0x1, s18, s18, $0xb8;
	[tilespmem:$0x980] =	vst v63  }
0x87: {  	_ =	swait.ge [sflag:s28], $0x80  }
0x88: {  	[sflag:s28] =	ssyncset.done $0x0  }
0x89: {  	s5 =	sadd.s32 $0xE00, s15;
	[sflag:s28] =	ssyncadd.s32 $0xFFFFFF80  }
0x8a: {  	[tilespmem:s29], [sflag:$0x8] =	stream.linear.gather [hbm4b:s5+s3], $0x80, $0x38;
	[tilespmem:$0x980] =	vst v63  }
0x8b: {  	_ =	swait.ge [sflag:s30], $0x80  }
0x8c: {  	[sflag:s30] =	ssyncset.done $0x0  }
0x8d: {  	[sflag:s30] =	ssyncadd.s32 $0xFFFFFF80  }
0x8e: {  	[spmem:s2] =	stream.indirect.scatter.add.f32 [tilespmem:s17], [sflag:$0xB], $0x1, s19, s18, $0xb8;
	[tilespmem:$0x980] =	vst v63  }
0x8f: {  	_ =	swait.ge [sflag:s31], $0x80  }
0x90: {  	[sflag:s31] =	ssyncset.done $0x0  }
0x91: {  	s5 =	sadd.s32 $0x1000, s15;
	[sflag:s31] =	ssyncadd.s32 $0xFFFFFF80  }
0x92: {  	[tilespmem:s3], [sflag:$0x1] =	stream.linear.gather [hbm4b:s5+s3], $0x80, $0x38;
	[tilespmem:$0x980] =	vst v63  }
0x93: {  	_ =	swait.ge [sflag:s0], $0x80  }
0x94: {  	[sflag:s0] =	ssyncset.done $0x0  }
0x95: {  	[sflag:s0] =	ssyncadd.s32 $0xFFFFFF80  }
0x96: {  	[spmem:s2] =	stream.indirect.scatter.add.f32 [tilespmem:s17], [sflag:$0xC], $0x1, s20, s18, $0xb8;
	[tilespmem:$0x980] =	vst v63  }
0x97: {  	_ =	swait.ge [sflag:s1], $0x80  }
0x98: {  	[sflag:s1] =	ssyncset.done $0x0  }
0x99: {  	s5 =	sadd.s32 $0x1200, s15;
	[sflag:s1] =	ssyncadd.s32 $0xFFFFFF80  }
0x9a: {  	[tilespmem:s18], [sflag:$0x2] =	stream.linear.gather [hbm4b:s5+s3], $0x80, $0x38;
	[tilespmem:$0x980] =	vst v63  }
0x9b: {  	_ =	swait.ge [sflag:s4], $0x80  }
0x9c: {  	[sflag:s4] =	ssyncset.done $0x0  }
0x9d: {  	[sflag:s4] =	ssyncadd.s32 $0xFFFFFF80  }
0x9e: {  	[spmem:s2] =	stream.indirect.scatter.add.f32 [tilespmem:s17], [sflag:$0xD], $0x1, s21, s18, $0xb8;
	[tilespmem:$0x980] =	vst v63  }
0x9f: {  	_ =	swait.ge [sflag:s8], $0x80  }
0xa0: {  	[sflag:s8] =	ssyncset.done $0x0  }
0xa1: {  	s5 =	sadd.s32 $0x1400, s15;
	[sflag:s8] =	ssyncadd.s32 $0xFFFFFF80  }
0xa2: {  	[tilespmem:s19], [sflag:$0x3] =	stream.linear.gather [hbm4b:s5+s3], $0x80, $0x38;
	[tilespmem:$0x980] =	vst v63  }
0xa3: {  	_ =	swait.ge [sflag:s9], $0x80  }
0xa4: {  	[sflag:s9] =	ssyncset.done $0x0  }
0xa5: {  	[sflag:s9] =	ssyncadd.s32 $0xFFFFFF80  }
0xa6: {  	[spmem:s2] =	stream.indirect.scatter.add.f32 [tilespmem:s17], [sflag:$0xE], $0x1, s22, s18, $0xb8;
	[tilespmem:$0x980] =	vst v63  }
0xa7: {  	_ =	swait.ge [sflag:s10], $0x80  }
0xa8: {  	[sflag:s10] =	ssyncset.done $0x0  }
0xa9: {  	s5 =	sadd.s32 $0x1600, s15;
	[sflag:s10] =	ssyncadd.s32 $0xFFFFFF80  }
0xaa: {  	[tilespmem:s20], [sflag:$0x4] =	stream.linear.gather [hbm4b:s5+s3], $0x80, $0x38;
	[tilespmem:$0x980] =	vst v63  }
0xab: {  	_ =	swait.ge [sflag:s11], $0x80  }
0xac: {  	[sflag:s11] =	ssyncset.done $0x0  }
0xad: {  	[sflag:s11] =	ssyncadd.s32 $0xFFFFFF80  }
0xae: {  	[spmem:s2] =	stream.indirect.scatter.add.f32 [tilespmem:s17], [sflag:$0xF], $0x1, s25, s18, $0xb8;
	[tilespmem:$0x980] =	vst v63  }
0xaf: {  	_ =	swait.ge [sflag:s12], $0x80  }
0xb0: {  	[sflag:s12] =	ssyncset.done $0x0  }
0xb1: {  	s5 =	sadd.s32 $0x1800, s15;
	[sflag:s12] =	ssyncadd.s32 $0xFFFFFF80  }
0xb2: {  	[tilespmem:s21], [sflag:$0x5] =	stream.linear.gather [hbm4b:s5+s3], $0x80, $0x38;
	[tilespmem:$0x980] =	vst v63  }
0xb3: {  	_ =	swait.ge [sflag:s13], $0x80  }
0xb4: {  	p0 =	sne.s32 s7, $0x9000;
	[sflag:s13] =	ssyncset.done $0x0  }
.Ltmp0:
0xb5: {  	[sflag:s13] =	ssyncadd.s32 $0xFFFFFF80;
	(pc) =	sbr.rel @p0 .LBB2_2-.Ltmp0, $4  }
0xb6: {  	[spmem:s2] =	stream.indirect.scatter.add.f32 [tilespmem:s17], [sflag:$0x10], $0x1, s29, s18, $0xb8;
	[tilespmem:$0x980] =	vst v63  }
0xb7: {  	_ =	swait.ge [sflag:s14], $0x80  }
0xb8: {  	[sflag:s14] =	ssyncset.done $0x0  }
0xb9: {  	s7 =	sadd.s32 $0x1000, s7;
	s15 =	sadd.s32 $0x1A00, s15;
	[sflag:s14] =	ssyncadd.s32 $0xFFFFFF80  }
0xba: {  	[tilespmem:s22], [sflag:$0x6] =	stream.linear.gather [hbm4b:s15+s3], $0x80, $0x38;
	[tilespmem:$0x980] =	vst v63  }
0xbb: {  	_ =	swait.ge [sflag:s24], $0x80  }
0xbc: {  	[sflag:s24] =	ssyncset.done $0x0  }
0xbd: {  	[sflag:s24] =	ssyncadd.s32 $0xFFFFFF80  }
0xbe: {  	_ =	swait.ge [sflag:s28], $0x80  }
0xbf: {  	[sflag:s28] =	ssyncset.done $0x0  }
0xc0: {  	[sflag:s28] =	ssyncadd.s32 $0xFFFFFF80  }
0xc1: {  	_ =	swait.ge [sflag:s23], $0x80  }
0xc2: {  	[sflag:s23] =	ssyncset.done $0x0  }
0xc3: {  	[sflag:s23] =	ssyncadd.s32 $0xFFFFFF80  }
0xc4: {  	_ =	swait.ge [sflag:s26], $0x80  }
0xc5: {  	[sflag:s26] =	ssyncset.done $0x0  }
0xc6: {  	[sflag:s26] =	ssyncadd.s32 $0xFFFFFF80  }
0xc7: {  	_ =	swait.ge [sflag:s30], $0x80  }
0xc8: {  	[sflag:s30] =	ssyncset.done $0x0  }
0xc9: {  	[sflag:s30] =	ssyncadd.s32 $0xFFFFFF80  }
0xca: {  	_ =	swait.ge [sflag:s0], $0x80  }
0xcb: {  	[sflag:s0] =	ssyncset.done $0x0  }
0xcc: {  	[sflag:s0] =	ssyncadd.s32 $0xFFFFFF80  }
0xcd: {  	_ =	swait.ge [sflag:s4], $0x80  }
0xce: {  	[sflag:s4] =	ssyncset.done $0x0  }
0xcf: {  	[sflag:s4] =	ssyncadd.s32 $0xFFFFFF80  }
0xd0: {  	_ =	swait.ge [sflag:s9], $0x80  }
0xd1: {  	[sflag:s9] =	ssyncset.done $0x0  }
0xd2: {  	[sflag:s9] =	ssyncadd.s32 $0xFFFFFF80  }
0xd3: {  	[bflag:$0x0] =	sbarrier.arrive $0xFFFF  }
0xd4: {  	s15 =	simm.s32 $0x480;
	s7 =	rddreg [dreg:$0x8]  }
0xd5: {  	[tilespmem:s15], [sflag:$0x11] =	stream.linear.gather [spmem:s7], $0x280, $0x38;
	[tilespmem:$0x980] =	vst v63  }
0xd6: {  	_ =	swait.ge [sflag:s16], $0x280  }
0xd7: {  	[sflag:s16] =	ssyncset.done $0x0  }
0xd8: {  	s5 =	rddreg [dreg:$0xe];
	[sflag:s16] =	ssyncadd.s32 $0xFFFFFD80  }
0xd9: {  	[hbm4b:s5+s3] =	stream.linear.scatter [tilespmem:s15], [sflag:$0x11], $0x280, $0x38;
	[tilespmem:$0x980] =	vst v63  }
0xda: {  	_ =	swait.ge [sflag:s16], $0x280  }
0xdb: {  	s6 =	sadd.s32 $0x1, s6;
	s5 =	rddreg [dreg:$0xf]  }
0xdc: {  	p0 =	sne.s32 s6, s5  }
.Ltmp1:
0xdd: {  	_ = 	snop;
	(pc) =	sbr.rel @p0 .LBB2_1-.Ltmp1, $3  }
0xde: {  	_ =	sdelay $0x1  }
0xdf: {  	[sflag:s16] =	ssyncset.done $0x0  }
0xe0: {  	[sflag:s16] =	ssyncadd.s32 $0xFFFFFD80  }
0xe1: {  	_ =	sfence.sel $0x180000  }
0xe2: {  	[bflag:$0x0] =	sbarrier.arrive $0xFFFF  }
0xe3: {  	_ =	strace $0x90000047  }
0xe4: {  	s0 =	stileid.u32;
	[bflag:$0x2] =	sbarrier.arrive $0xFFFF  }
0xe5: {  	p0 =	sne.s32 s0, $0x0;
	s0 =	rddreg [dreg:$0x3]  }
0xe6: {  	s0 =	sadd.s32 @!p0 $0x100000, s0  }
0xe7: {  	[sflag:s0] =	ssyncadd.tile.s32 @!p0 $0x1;
	_ =	shalt  }
.Lfunc_end2:
_tile_overlayer_lowered:
.L_overlay_start_2:
0xe8: {  	(tag) =	ssettag $0x2  }
0xe9: {  	s0 =	rddreg [dreg:$0x0];
	s2 =	stileid.u32  }
0xea: {  	s1 =	rddreg [dreg:$0x1];
	p0 =	sne.s32 s2, $0x0  }
0xeb: {  	s3 =	rddreg [dreg:$0x2];
	[bflag:$0x3] =	sbarrier.arrive $0xFFFF;
	s2 =	simm.s32 @!p0 $0x1C11  }
0xec: {  	[timem:s3], [sflag:s2] =	dma.local @!p0 [hbm:s0], s1  }
0xed: {  	s0 =	simm.s32 @!p0 $0x11  }
0xee: {  	_ =	swait.ge @!p0 [sflag:s0], s1  }
0xef: {  	s1 =	ssub.s32 @!p0 $0x0, s1;
	[sflag:s0] =	ssyncset.done @!p0 $0x0  }
0xf0: {  	[sflag:s0] =	ssyncadd.s32 @!p0 s1  }
0xf1: {  	[bflag:$0x3] =	sbarrier.arrive $0xFFFF  }
0xf2: {  	_ =	shalt  }

// kernel: kernel.9.cloned.1.call-start
scs
__scs_entry_jumppad:
0x0: {  	(pc) =	sbr.rel $0x88, $3  }
0x1: {  	(tag) =	ssettag $0x0;
	lr =	simm.s32 $0x1  }
0x2: {  	[smem:$0x3F9C] =	sst lr;
	_ =	strace $0xD0000000  }
0x3: {  	_ = 	snop  }
0x4: {  	_ = 	snop  }
0x5: {  	_ = 	snop  }
0x6: {  	_ = 	snop  }
0x7: {  	_ = 	snop  }
__scs_overlays_trampoline_lowered:
0x8: {  	[smem:$0x3FAB] =	sst s0  }
0x9: {  	[smem:$0x3FAC] =	sst s1  }
0xa: {  	[smem:$0x3FAD] =	sst s2  }
0xb: {  	[smem:$0x3FAE] =	sst s3  }
0xc: {  	[smem:$0x3FAF] =	sst s4  }
0xd: {  	[smem:$0x3FB0] =	sst s5  }
0xe: {  	[smem:$0x3FB1] =	sst s6  }
0xf: {  	[smem:$0x3FB2] =	sst s7  }
0x10: {  	[smem:$0x3FB3] =	sst s8  }
0x11: {  	[smem:$0x3FB4] =	sst s9;
	s0 =	simm.s32 @!p0 $0x0  }
0x12: {  	s1 =	sld [smem:$0x3F9A];
	s0 =	simm.s32 @p0 $0x1  }
0x13: {  	[smem:$0x3FB5] =	sst s0;
	s0 =	simm.s32 @!p1 $0x0  }
0x14: {  	s2 =	sld [smem:$0x3F99];
	s0 =	simm.s32 @p1 $0x1  }
0x15: {  	[smem:$0x3FB6] =	sst s0;
	s0 =	simm.s32 @!p2 $0x0  }
0x16: {  	s3 =	sld [smem:$0x3FDB];
	s0 =	simm.s32 @p2 $0x1  }
0x17: {  	s4 =	simm.s32 $0x1BF5;
	[smem:$0x3FB8] =	sst s0  }
0x18: {  	s0 =	sld [smem:$0x3F9B];
	_ =	swait.ge [sflag:s4], $0x0  }
0x19: {  	s7 =	sld [smem:$0x3F9C]  }
0x1a: {  	s8 =	sadd.s32 $0xFFFFE003, lr  }
0x1b: {  	s9 =	sadd.s32 $0xFFFFFEF7, lr;
	s5 =	simm.s32 $0xFFFFFFFF;
	p2 =	slt.u32 s8, $0xFFFFF086  }
0x1c: {  	p1 =	slt.u32 s9, $0xF7A;
	s5 =	simm.s32 @!p2 $0x0  }
0x1d: {  	s5 =	simm.s32 @p1 $0x1;
	p0 =	seq.s32 s7, s2  }
0x1e: {  	s7 =	smul.u32 @!p0 $0xF7A, s2;
	p2 =	seq.s32 @!p0 s5, $0x0  }
0x1f: {  	s9 =	smul.u32 $0xF7A, s1;
	s8 =	simm.s32 @!p0 $0x1BF5;
	p2 =	por !p2, p0  }
0x20: {  	[sflag:s8] =	ssyncset.s32 @!p0 $0xFFFFF086;
	s6 =	sadd.s32 @!p0 s3, s7;
	s7 =	simm.s32 @!p0 $0x108  }
0x21: {  	s3 =	sadd.s32 s3, s9;
	s6 =	sadd.s32 @!p0 $0x88, s6;
	s7 =	simm.s32 @p2 $0x1082  }
0x22: {  	[simem:s7], [sflag:s8] =	dma.local @!p0 [hbm:s6], $0xF7A  }
0x23: {  	s9 =	sor.u32 $0xD0000000, s2;
	s6 =	simm.s32 $0x108;
	_ =	swait.ge @!p0 [sflag:s8], $0x0  }
0x24: {  	s3 =	sadd.s32 $0x88, s3;
	s6 =	simm.s32 @!p1 $0x1082;
	[sflag:s4] =	ssyncset.s32 $0xFFFFF086  }
0x25: {  	[simem:s6], [sflag:s4] =	dma.local [hbm:s3], $0xF7A  }
0x26: {  	[smem:$0x3F9C] =	sst s1;
	(tag) =	ssettag s2;
	_ =	strace s9  }
0x27: {  	s1 =	sld [smem:$0x3FAC]  }
0x28: {  	s2 =	sld [smem:$0x3FAD]  }
0x29: {  	s4 =	sld [smem:$0x3FAF]  }
0x2a: {  	p0 =	seq.s32 s5, $0x0;
	s5 =	sld [smem:$0x3FB0]  }
0x2b: {  	s6 =	sld [smem:$0x3FB1]  }
0x2c: {  	s7 =	sld [smem:$0x3FB2]  }
0x2d: {  	s3 =	simm.s32 $0x108;
	s8 =	sld [smem:$0x3FB3]  }
0x2e: {  	s3 =	simm.s32 @!p0 $0x1082;
	s9 =	sld [smem:$0x3FB4]  }
0x2f: {  	lr =	sadd.s32 s0, s3;
	s0 =	sld [smem:$0x3FAB]  }
0x30: {  	s3 =	sld [smem:$0x3FAE]  }
0x31: {  	[smem:$0x3FB7] =	sst s10  }
0x32: {  	s10 =	sld [smem:$0x3FB5];
	_ =	sdelay $0x3  }
0x33: {  	p0 =	seq.s32 s10, $0x1;
	s10 =	sld [smem:$0x3FB7];
	_ =	sdelay $0x3  }
0x34: {  	[smem:$0x3FB7] =	sst s10  }
0x35: {  	s10 =	sld [smem:$0x3FB6];
	_ =	sdelay $0x3  }
0x36: {  	p1 =	seq.s32 s10, $0x1;
	s10 =	sld [smem:$0x3FB7];
	_ =	sdelay $0x3  }
0x37: {  	[smem:$0x3FB7] =	sst s10  }
0x38: {  	s10 =	sld [smem:$0x3FB8]  }
0x39: {  	_ = 	snop;
	(pc) =	sbr.ind lr, $3  }
0x3a: {  	_ = 	snop  }
0x3b: {  	_ = 	snop  }
0x3c: {  	p2 =	seq.s32 s10, $0x1;
	s10 =	sld [smem:$0x3FB7]  }
0x3d: {  	_ =	shalt  }
0x3e: {  	_ =	shalt  }
0x3f: {  	_ =	shalt  }
0x40: {  	_ =	shalt  }
0x41: {  	_ =	shalt  }
0x42: {  	_ =	shalt  }
0x43: {  	_ =	shalt  }
0x44: {  	_ =	shalt  }
0x45: {  	_ =	shalt  }
0x46: {  	_ =	shalt  }
0x47: {  	_ =	shalt  }
0x48: {  	_ =	shalt  }
0x49: {  	_ =	shalt  }
0x4a: {  	_ =	shalt  }
0x4b: {  	_ =	shalt  }
0x4c: {  	_ =	shalt  }
0x4d: {  	_ =	shalt  }
0x4e: {  	_ =	shalt  }
0x4f: {  	_ =	shalt  }
0x50: {  	_ =	shalt  }
0x51: {  	_ =	shalt  }
0x52: {  	_ =	shalt  }
0x53: {  	_ =	shalt  }
0x54: {  	_ =	shalt  }
0x55: {  	_ =	shalt  }
0x56: {  	_ =	shalt  }
0x57: {  	_ =	shalt  }
0x58: {  	_ =	shalt  }
0x59: {  	_ =	shalt  }
0x5a: {  	_ =	shalt  }
0x5b: {  	_ =	shalt  }
0x5c: {  	_ =	shalt  }
0x5d: {  	_ =	shalt  }
0x5e: {  	_ =	shalt  }
0x5f: {  	_ =	shalt  }
0x60: {  	_ =	shalt  }
0x61: {  	_ =	shalt  }
0x62: {  	_ =	shalt  }
0x63: {  	_ =	shalt  }
0x64: {  	_ =	shalt  }
0x65: {  	_ =	shalt  }
0x66: {  	_ =	shalt  }
0x67: {  	_ =	shalt  }
0x68: {  	_ =	shalt  }
0x69: {  	_ =	shalt  }
0x6a: {  	_ =	shalt  }
0x6b: {  	_ =	shalt  }
0x6c: {  	_ =	shalt  }
0x6d: {  	_ =	shalt  }
0x6e: {  	_ =	shalt  }
0x6f: {  	_ =	shalt  }
0x70: {  	_ =	shalt  }
0x71: {  	_ =	shalt  }
0x72: {  	_ =	shalt  }
0x73: {  	_ =	shalt  }
0x74: {  	_ =	shalt  }
0x75: {  	_ =	shalt  }
0x76: {  	_ =	shalt  }
0x77: {  	_ =	shalt  }
0x78: {  	_ =	shalt  }
0x79: {  	_ =	shalt  }
0x7a: {  	_ =	shalt  }
0x7b: {  	_ =	shalt  }
0x7c: {  	_ =	shalt  }
0x7d: {  	_ =	shalt  }
0x7e: {  	_ =	shalt  }
0x7f: {  	_ =	shalt  }
0x80: {  	_ =	shalt  }
0x81: {  	_ =	shalt  }
0x82: {  	_ =	shalt  }
0x83: {  	_ =	shalt  }
0x84: {  	_ =	shalt  }
0x85: {  	_ =	shalt  }
0x86: {  	_ =	shalt  }
0x87: {  	_ =	shalt  }
.Lfunc_end0:
.L_simem_size_0:
called_computation.1_lowered:
.L_overlay_start_0:
0x88: {  	s2 =	sld [smem:$0x3FD9]  }
0x89: {  	s3 =	sld [smem:$0x3FFE];
	_ =	sdelay $0x1  }
0x8a: {  	s1 =	srdreg.scid  }
0x8b: {  	s0 =	sand.u32 $0x1, s1  }
0x8c: {  	s17 =	sshll.u32 s0, $0xA;
	s2 =	sadd.s32 s3, s2  }
0x8d: {  	s2 =	sadd.s32 s2, s17  }
0x8e: {  	[smem:$0x3FC3] =	sst s2  }
0x8f: {  	_ = 	snop  }
0x90: {  	s2 =	sld [smem:$0x3FD0];
	(tm) =	ssettm $0x1  }
0x91: {  	s18 =	sld [smem:$0x3FFB];
	_ =	sdelay $0x3  }
0x92: {  	_ =	strace s18  }
0x93: {  	s3 =	sld [smem:$0x3FFC];
	_ =	sdelay $0x3  }
0x94: {  	_ =	strace s3  }
0x95: {  	s3 =	sld [smem:$0x3FFD];
	_ =	sdelay $0x3  }
0x96: {  	_ =	strace s3  }
0x97: {  	_ =	strace $0x8FFFFFFF  }
0x98: {  	s19 =	sld [smem:$0x3FDB];
	_ =	sdelay $0x1  }
0x99: {  	s4 =	simm.s32 $_scs_section_size  }
0x9a: {  	s5 =	simm.s32 $_size__tile_overlayer_lowered;
	s6 =	simm.s32 $_tile_overlayer_lowered  }
0x9b: {  	s22 =	simm.s32 $0x1BFF;
	s21 =	sshll.u32 s6, $0x1;
	s3 =	sadd.s32 s4, s19  }
0x9c: {  	s7 =	simm.s32 $0x0;
	s20 =	sshll.u32 s5, $0x1;
	s5 =	sadd.s32 s21, s3  }
0x9d: {  	[timem:s7], [sflag:s22] =	dma.local [hbm:s5], s20  }
0x9e: {  	_ =	swait.ge [sflag:s22], s20  }
0x9f: {  	s4 =	ssub.s32 $0x0, s20;
	[sflag:s22] =	ssyncset.done $0x0  }
0xa0: {  	[sflag:s22] =	ssyncadd.s32 s4;
	_ =	sdelay $0x1  }
0xa1: {  	s23 =	simm.s32 $0x1B8B  }
0xa2: {  	_ =	swait.ge [sflag:s23], $0x1  }
0xa3: {  	[sflag:s23] =	ssyncset.done $0x0  }
0xa4: {  	s25 =	simm.s32 $0x1B8E;
	s24 =	sld [smem:$0x3FFE];
	[sflag:s23] =	ssyncadd.s32 $0xFFFFFFFF  }
0xa5: {  	s26 =	simm.s32 $execute0_lowered;
	[smem:$0x3FD2] =	sst s25  }
0xa6: {  	s5 =	sshll.u32 s26, $0x1;
	_ =	strace $0x80000049;
	[dreg:$0x1] =	wrdreg $0xFFFFFFFF  }
0xa7: {  	s28 =	simm.s32 $_size_execute0_lowered;
	s3 =	sadd.s32 s3, s5;
	[dreg:$0x0] =	wrdreg $0x0  }
0xa8: {  	s5 =	sshll.u32 s28, $0x1;
	[dreg:$0x2] =	wrdreg s3  }
0xa9: {  	[dreg:$0x3] =	wrdreg s5  }
0xaa: {  	[dreg:$0x4] =	wrdreg $0xC0  }
0xab: {  	_ =	task [dreg:s7], $0x5FFFF  }
0xac: {  	[dreg:$0x1] =	wrdreg $0xFFFFFFFF  }
0xad: {  	[dreg:$0x0] =	wrdreg $0x60  }
0xae: {  	[dreg:$0x2] =	wrdreg s2  }
0xaf: {  	[dreg:$0x3] =	wrdreg s24  }
0xb0: {  	[dreg:$0x4] =	wrdreg $0x82000  }
0xb1: {  	[dreg:$0x5] =	wrdreg $0x9  }
0xb2: {  	_ =	task.clear_ibuf [dreg:s7], $0x6FFFF;
	_ =	strace $0x90000049  }
0xb3: {  	s29 =	simm.s32 $0x9;
	_ =	strace $0x8000004B  }
0xb4: {  	_ =	swait.ge [sflag:s29], $0x1  }
0xb5: {  	[sflag:s29] =	ssyncadd.s32 $0xFFFFFFFF  }
0xb6: {  	_ =	strace $0x9000004B  }
0xb7: {  	_ =	sfence  }
0xb8: {  	s30 =	sld [smem:$0x0];
	_ =	sdelay $0x2  }
0xb9: {  	s31 =	sshll.u32 s1, $0xD;
	s1 =	sshrl.u32 s1, $0x2  }
0xba: {  	s3 =	sand.u32 $0x4000, s31;
	s1 =	sadd.s32 s1, s30  }
0xbb: {  	s0 =	sor.u32 s3, s0;
	s1 =	sshll.u32 s1, $0x11  }
0xbc: {  	s0 =	sor.u32 s1, s0  }
0xbd: {  	s0 =	sadd.s32 $0x8F2B, s0  }
0xbe: {  	[sflag:s0] =	ssyncadd.remote.s32 $0x1  }
0xbf: {  	_ =	sfence.sel $0xFFFF  }
0xc0: {  	[dreg:$0x0] =	wrdreg $0xFFFFFFFF;
	(pc) =	sbr.abs _section_cstart, $3  }
0xc1: {  	[dreg:$0x1] =	wrdreg $0xFFFFFFFF  }
0xc2: {  	_ =	task.clear_ibuf [dreg:s7], $0x2FFFF;
	_ =	strace $0x9FFFFFFF  }
0xc3: {  	(tm) =	ssettm $0x7FFFFFFF  }
tec
execute0_lowered:
.L_overlay_start_1:
0x0: {  	(tag) =	ssettag $0x1  }
0x1: {  	s1 =	rddreg [dreg:$0x0]  }
0x2: {  	s0 =	rddreg [dreg:$0x1]  }
0x3: {  	s2 =	rddreg [dreg:$0x2]  }
0x4: {  	s3 =	srdreg.scid;
	s4 =	simm.s32 $0x0;
	s9 =	stileid.u32  }
0x5: {  	s28 =	simm.s32 $0x5;
	s29 =	simm.s32 $0x3;
	s30 =	simm.s32 $0x6  }
0x6: {  	s31 =	simm.s32 $0x4;
	s3 =	sand.u32 $0x1, s3;
	s6 =	smul.u32 $0x14000, s9  }
0x7: {  	[smem:$0x7FF] =	sst s4;
	s7 =	smul.u32 $0x50000, s9;
	s17 =	sadd.s32 $0x1A00, s0  }
0x8: {  	s18 =	sadd.s32 $0xC600, s0;
	s8 =	sadd.s32 $0x17200, s0;
	s19 =	sshll.u32 s9, $0x4  }
0x9: {  	s5 =	smul.u32 $0x140000, s3;
	_ =	strace $0x8000004A;
	[dreg:$0x4] =	wrdreg s8  }
0xa: {  	s20 =	ssub.s32 $0x2, s3;
	s3 =	sshll.u32 s3, $0x8;
	s21 =	sshrl.u32 s7, $0x2  }
0xb: {  	s22 =	sshrl.u32 s20, $0x1;
	s13 =	sor.u32 s19, s3;
	s26 =	sadd.s32 s3, s18  }
0xc: {  	s3 =	sadd.s32 s3, s17;
	s5 =	sadd.s32 s6, s5;
	s6 =	sadd.s32 s21, s2  }
0xd: {  	s23 =	ssub.s32 s20, s22;
	s11 =	sadd.s32 s17, s13;
	s12 =	sadd.s32 s18, s13  }
0xe: {  	s14 =	sor.u32 $0x200, s13;
	s20 =	simm.s32 $0x7;
	s21 =	simm.s32 $0x100  }
0xf: {  	s22 =	simm.s32 $0x1;
	s5 =	sshrl.u32 s5, $0x3;
	s24 =	sadd.s32 $0x4000, s6  }
0x10: {  	s25 =	sadd.s32 $0x8000, s6;
	s9 =	sadd.s32 $0xC000, s6;
	s10 =	sadd.s32 $0x10000, s6  }
0x11: {  	s13 =	sadd.s32 s17, s14;
	s14 =	sadd.s32 s18, s14;
	s16 =	smax.u32 s23, $0x1  }
0x12: {  	s17 =	sadd.s32 s19, s26;
	s18 =	sadd.s32 s19, s3;
	s19 =	simm.s32 $0x200  }
0x13: {  	s23 =	simm.s32 $0x80;
	s26 =	simm.s32 $0x4200;
	[dreg:$0x5] =	wrdreg s24  }
0x14: {  	s0 =	sadd.s32 s5, s0;
	[dreg:$0x6] =	wrdreg s25;
	s24 =	simm.s32 $0x180  }
0x15: {  	s25 =	simm.s32 $0x2;
	s15 =	sadd.s32 $0x17A00, s0;
	s0 =	simm.s32 $0x0  }
.LBB2_1:
0x16: {  	s3 =	rddreg [dreg:$0x4]  }
0x17: {  	[tilespmem:s19], [sflag:$0x7] =	stream.linear.gather [hbm4b:s3+s4], $0x4000, $0x38;
	[tilespmem:$0x1C200] =	vst v63  }
0x18: {  	_ =	swait.ge [sflag:s20], $0x4000  }
0x19: {  	[sflag:s20] =	ssyncset.done $0x0  }
0x1a: {  	[sflag:s20] =	ssyncadd.s32 $0xFFFFC000  }
0x1b: {  	[spmem:s6] =	stream.linear.scatter [tilespmem:s19], [sflag:$0x7], $0x4000, $0x38;
	[tilespmem:$0x1C200] =	vst v63  }
0x1c: {  	_ =	swait.ge [sflag:s20], $0x4000  }
0x1d: {  	[sflag:s20] =	ssyncset.done $0x0  }
0x1e: {  	s5 =	rddreg [dreg:$0x5];
	[sflag:s20] =	ssyncadd.s32 $0xFFFFC000  }
0x1f: {  	[spmem:s5] =	stream.linear.scatter [tilespmem:s19], [sflag:$0x7], $0x4000, $0x38;
	[tilespmem:$0x1C200] =	vst v63  }
0x20: {  	_ =	swait.ge [sflag:s20], $0x4000  }
0x21: {  	[sflag:s20] =	ssyncset.done $0x0  }
0x22: {  	s7 =	rddreg [dreg:$0x6];
	[sflag:s20] =	ssyncadd.s32 $0xFFFFC000  }
0x23: {  	[spmem:s7] =	stream.linear.scatter [tilespmem:s19], [sflag:$0x7], $0x4000, $0x38;
	[tilespmem:$0x1C200] =	vst v63  }
0x24: {  	_ =	swait.ge [sflag:s20], $0x4000  }
0x25: {  	[sflag:s20] =	ssyncset.done $0x0  }
0x26: {  	[sflag:s20] =	ssyncadd.s32 $0xFFFFC000  }
0x27: {  	[spmem:s9] =	stream.linear.scatter [tilespmem:s19], [sflag:$0x7], $0x4000, $0x38;
	[tilespmem:$0x1C200] =	vst v63  }
0x28: {  	_ =	swait.ge [sflag:s20], $0x4000  }
0x29: {  	[sflag:s20] =	ssyncset.done $0x0  }
0x2a: {  	[sflag:s20] =	ssyncadd.s32 $0xFFFFC000  }
0x2b: {  	[spmem:s10] =	stream.linear.scatter [tilespmem:s19], [sflag:$0x7], $0x4000, $0x38;
	[tilespmem:$0x1C200] =	vst v63  }
0x2c: {  	_ =	swait.ge [sflag:s20], $0x4000  }
0x2d: {  	[sflag:s20] =	ssyncset.done $0x0  }
0x2e: {  	[sflag:s20] =	ssyncadd.s32 $0xFFFFC000  }
0x2f: {  	[bflag:$0x0] =	sbarrier.arrive $0xFFFF  }
0x30: {  	[tilespmem:s4], [sflag:$0x1] =	stream.linear.gather [hbm4b:s11+s4], $0x80, $0x38;
	[tilespmem:$0x1C200] =	vst v63  }
0x31: {  	_ = 	snop  }
0x32: {  	[tilespmem:s21], [sflag:$0x3] =	stream.linear.gather [hbm4b:s12+s4], $0x80, $0x38;
	[tilespmem:$0x1C200] =	vst v63  }
0x33: {  	_ =	swait.ge [sflag:s22], $0x80  }
0x34: {  	[sflag:s22] =	ssyncset.done $0x0  }
0x35: {  	[sflag:s22] =	ssyncadd.s32 $0xFFFFFF80  }
0x36: {  	[tilespmem:s19], [sflag:$0x5] =	stream.indirect.gather [hbm4b:s1+s23], $0x80, s4, s23, $0xb8;
	[tilespmem:$0x1C200] =	vst v63  }
0x37: {  	_ = 	snop  }
0x38: {  	[tilespmem:s23], [sflag:$0x2] =	stream.linear.gather [hbm4b:s13+s4], $0x80, $0x38;
	[tilespmem:$0x1C200] =	vst v63  }
0x39: {  	_ = 	snop  }
0x3a: {  	[tilespmem:s24], [sflag:$0x4] =	stream.linear.gather [hbm4b:s14+s4], $0x80, $0x38;
	[tilespmem:$0x1C200] =	vst v63  }
0x3b: {  	_ =	swait.ge [sflag:s25], $0x80  }
0x3c: {  	[sflag:s25] =	ssyncset.done $0x0  }
0x3d: {  	[sflag:s25] =	ssyncadd.s32 $0xFFFFFF80  }
0x3e: {  	[tilespmem:s26], [sflag:$0x6] =	stream.indirect.gather [hbm4b:s1+s23], $0x80, s23, s23, $0xb8;
	[tilespmem:$0x1C200] =	vst v63  }
0x3f: {  	_ =	swait.ge [sflag:s28], $0x4000  }
0x40: {  	s3 =	sadd.s32 $0x0, s18;
	[sflag:s28] =	ssyncset.done $0x0  }
0x41: {  	s5 =	sadd.s32 $0x400, s3;
	[sflag:s28] =	ssyncadd.s32 $0xFFFFC000  }
0x42: {  	[tilespmem:s4], [sflag:$0x1] =	stream.linear.gather [hbm4b:s5+s4], $0x80, $0x38;
	[tilespmem:$0x1C200] =	vst v63  }
0x43: {  	_ =	swait.ge [sflag:s29], $0x80  }
0x44: {  	[sflag:s29] =	ssyncset.done $0x0  }
0x45: {  	[sflag:s29] =	ssyncadd.s32 $0xFFFFFF80  }
0x46: {  	[spmem:s2] =	stream.indirect.scatter.add.f32 [tilespmem:s19], [sflag:$0x7], $0x80, s21, s23, $0xb8;
	[tilespmem:$0x1C200] =	vst v63  }
0x47: {  	_ =	swait.ge [sflag:s20], $0x4000  }
0x48: {  	s8 =	sadd.s32 $0x0, s17;
	[sflag:s20] =	ssyncset.done $0x0  }
0x49: {  	s7 =	sadd.s32 $0x400, s8;
	[sflag:s20] =	ssyncadd.s32 $0xFFFFC000  }
0x4a: {  	[tilespmem:s21], [sflag:$0x3] =	stream.linear.gather [hbm4b:s7+s4], $0x80, $0x38;
	[tilespmem:$0x1C200] =	vst v63  }
0x4b: {  	_ =	swait.ge [sflag:s22], $0x80  }
0x4c: {  	[sflag:s22] =	ssyncset.done $0x0  }
0x4d: {  	[sflag:s22] =	ssyncadd.s32 $0xFFFFFF80  }
0x4e: {  	[tilespmem:s19], [sflag:$0x5] =	stream.indirect.gather [hbm4b:s1+s23], $0x80, s4, s23, $0xb8;
	[tilespmem:$0x1C200] =	vst v63  }
0x4f: {  	_ =	swait.ge [sflag:s30], $0x4000  }
0x50: {  	[sflag:s30] =	ssyncset.done $0x0  }
0x51: {  	s3 =	sadd.s32 $0x600, s3;
	[sflag:s30] =	ssyncadd.s32 $0xFFFFC000  }
0x52: {  	[tilespmem:s23], [sflag:$0x2] =	stream.linear.gather [hbm4b:s3+s4], $0x80, $0x38;
	[tilespmem:$0x1C200] =	vst v63  }
0x53: {  	_ =	swait.ge [sflag:s31], $0x80  }
0x54: {  	[sflag:s31] =	ssyncset.done $0x0  }
0x55: {  	[sflag:s31] =	ssyncadd.s32 $0xFFFFFF80  }
0x56: {  	[spmem:s2] =	stream.indirect.scatter.add.f32 [tilespmem:s26], [sflag:$0x7], $0x80, s24, s23, $0xb8;
	[tilespmem:$0x1C200] =	vst v63  }
0x57: {  	_ =	swait.ge [sflag:s20], $0x4000  }
0x58: {  	[sflag:s20] =	ssyncset.done $0x0  }
0x59: {  	s5 =	sadd.s32 $0x600, s8;
	s3 =	simm.s32 $0x400;
	[sflag:s20] =	ssyncadd.s32 $0xFFFFC000  }
.LBB2_2:
0x5a: {  	[tilespmem:s24], [sflag:$0x4] =	stream.linear.gather [hbm4b:s5+s4], $0x80, $0x38;
	[tilespmem:$0x1C200] =	vst v63  }
0x5b: {  	s5 =	smov.u32 s3  }
0x5c: {  	p0 =	sne.s32 s3, $0x9C00;
	s3 =	sadd.s32 $0x400, s3;
	_ =	swait.ge [sflag:s25], $0x80  }
0x5d: {  	[sflag:s25] =	ssyncset.done $0x0  }
0x5e: {  	[sflag:s25] =	ssyncadd.s32 $0xFFFFFF80  }
0x5f: {  	[tilespmem:s26], [sflag:$0x6] =	stream.indirect.gather [hbm4b:s1+s23], $0x80, s23, s23, $0xb8;
	[tilespmem:$0x1C200] =	vst v63  }
0x60: {  	_ =	swait.ge [sflag:s28], $0x4000  }
0x61: {  	s7 =	sadd.s32 s5, s18;
	[sflag:s28] =	ssyncset.done $0x0  }
0x62: {  	s8 =	sadd.s32 $0x400, s7;
	[sflag:s28] =	ssyncadd.s32 $0xFFFFC000  }
0x63: {  	[tilespmem:s4], [sflag:$0x1] =	stream.linear.gather [hbm4b:s8+s4], $0x80, $0x38;
	[tilespmem:$0x1C200] =	vst v63  }
0x64: {  	_ =	swait.ge [sflag:s29], $0x80  }
0x65: {  	[sflag:s29] =	ssyncset.done $0x0  }
0x66: {  	[sflag:s29] =	ssyncadd.s32 $0xFFFFFF80  }
0x67: {  	[spmem:s2] =	stream.indirect.scatter.add.f32 [tilespmem:s19], [sflag:$0x7], $0x80, s21, s23, $0xb8;
	[tilespmem:$0x1C200] =	vst v63  }
0x68: {  	_ =	swait.ge [sflag:s20], $0x4000  }
0x69: {  	s5 =	sadd.s32 s5, s17;
	[sflag:s20] =	ssyncset.done $0x0  }
0x6a: {  	s8 =	sadd.s32 $0x400, s5;
	[sflag:s20] =	ssyncadd.s32 $0xFFFFC000  }
0x6b: {  	[tilespmem:s21], [sflag:$0x3] =	stream.linear.gather [hbm4b:s8+s4], $0x80, $0x38;
	[tilespmem:$0x1C200] =	vst v63  }
0x6c: {  	_ =	swait.ge [sflag:s22], $0x80  }
0x6d: {  	[sflag:s22] =	ssyncset.done $0x0  }
0x6e: {  	[sflag:s22] =	ssyncadd.s32 $0xFFFFFF80  }
0x6f: {  	[tilespmem:s19], [sflag:$0x5] =	stream.indirect.gather [hbm4b:s1+s23], $0x80, s4, s23, $0xb8;
	[tilespmem:$0x1C200] =	vst v63  }
0x70: {  	_ =	swait.ge [sflag:s30], $0x4000  }
0x71: {  	[sflag:s30] =	ssyncset.done $0x0  }
0x72: {  	s7 =	sadd.s32 $0x600, s7;
	[sflag:s30] =	ssyncadd.s32 $0xFFFFC000  }
0x73: {  	[tilespmem:s23], [sflag:$0x2] =	stream.linear.gather [hbm4b:s7+s4], $0x80, $0x38;
	[tilespmem:$0x1C200] =	vst v63  }
0x74: {  	_ =	swait.ge [sflag:s31], $0x80  }
0x75: {  	[sflag:s31] =	ssyncset.done $0x0  }
.Ltmp0:
0x76: {  	[sflag:s31] =	ssyncadd.s32 $0xFFFFFF80;
	(pc) =	sbr.rel @p0 .LBB2_2-.Ltmp0, $4  }
0x77: {  	[spmem:s2] =	stream.indirect.scatter.add.f32 [tilespmem:s26], [sflag:$0x7], $0x80, s24, s23, $0xb8;
	[tilespmem:$0x1C200] =	vst v63  }
0x78: {  	_ =	swait.ge [sflag:s20], $0x4000  }
0x79: {  	[sflag:s20] =	ssyncset.done $0x0  }
0x7a: {  	s5 =	sadd.s32 $0x600, s5;
	[sflag:s20] =	ssyncadd.s32 $0xFFFFC000  }
0x7b: {  	[tilespmem:s24], [sflag:$0x4] =	stream.linear.gather [hbm4b:s5+s4], $0x80, $0x38;
	[tilespmem:$0x1C200] =	vst v63  }
0x7c: {  	_ =	swait.ge [sflag:s25], $0x80  }
0x7d: {  	[sflag:s25] =	ssyncset.done $0x0  }
0x7e: {  	[sflag:s25] =	ssyncadd.s32 $0xFFFFFF80  }
0x7f: {  	_ =	swait.ge [sflag:s31], $0x80  }
0x80: {  	[sflag:s31] =	ssyncset.done $0x0  }
0x81: {  	[sflag:s31] =	ssyncadd.s32 $0xFFFFFF80  }
0x82: {  	_ =	swait.ge [sflag:s28], $0x4000  }
0x83: {  	[sflag:s28] =	ssyncset.done $0x0  }
0x84: {  	[sflag:s28] =	ssyncadd.s32 $0xFFFFC000  }
0x85: {  	s3 =	stileid.u32;
	_ =	swait.ge [sflag:s29], $0x80  }
0x86: {  	s8 =	sshrl.u32 s6, $0x3;
	s0 =	sadd.s32 $0x1, s0;
	[sflag:s29] =	ssyncset.done $0x0  }
0x87: {  	s3 =	sshll.u32 s3, $0x6;
	p0 =	sne.s32 s0, s16;
	[sflag:s29] =	ssyncadd.s32 $0xFFFFFF80  }
.Ltmp1:
0x88: {  	s3 =	sor.u32 $0x1C07, s3;
	[bflag:$0x0] =	sbarrier.arrive $0xFFFF;
	(pc) =	sbr.rel @p0 .LBB2_1-.Ltmp1, $4  }
0x89: {  	[hbm:s15], [sflag:s3] =	dma.local [spmem:s8], $0x2800  }
0x8a: {  	_ =	swait.ge [sflag:s20], $0x2800  }
0x8b: {  	[sflag:s20] =	ssyncset.done $0x0  }
0x8c: {  	[sflag:s20] =	ssyncadd.s32 $0xFFFFD800  }
0x8d: {  	_ =	sfence.sel $0x180000  }
0x8e: {  	[bflag:$0x0] =	sbarrier.arrive $0xFFFF  }
0x8f: {  	_ =	strace $0x9000004A  }
0x90: {  	s0 =	stileid.u32;
	[bflag:$0x2] =	sbarrier.arrive $0xFFFF  }
0x91: {  	p0 =	sne.s32 s0, $0x0;
	s0 =	rddreg [dreg:$0x3]  }
0x92: {  	s0 =	sadd.s32 @!p0 $0x100000, s0  }
0x93: {  	[sflag:s0] =	ssyncadd.tile.s32 @!p0 $0x1;
	_ =	shalt  }
.Lfunc_end2:
_tile_overlayer_lowered:
.L_overlay_start_2:
0x94: {  	(tag) =	ssettag $0x2  }
0x95: {  	s0 =	rddreg [dreg:$0x0];
	s2 =	stileid.u32  }
0x96: {  	s1 =	rddreg [dreg:$0x1];
	p0 =	sne.s32 s2, $0x0  }
0x97: {  	s3 =	rddreg [dreg:$0x2];
	[bflag:$0x3] =	sbarrier.arrive $0xFFFF;
	s2 =	simm.s32 @!p0 $0x1C07  }
0x98: {  	[timem:s3], [sflag:s2] =	dma.local @!p0 [hbm:s0], s1  }
0x99: {  	s0 =	simm.s32 @!p0 $0x7  }
0x9a: {  	_ =	swait.ge @!p0 [sflag:s0], s1  }
0x9b: {  	s1 =	ssub.s32 @!p0 $0x0, s1;
	[sflag:s0] =	ssyncset.done @!p0 $0x0  }
0x9c: {  	[sflag:s0] =	ssyncadd.s32 @!p0 s1  }
0x9d: {  	[bflag:$0x3] =	sbarrier.arrive $0xFFFF  }
0x9e: {  	_ =	shalt  }

</sc_bundles>
